<compile_context>
chip_gen: v7x
topology: tpu7x:2x2x1
jax: 0.10.2.dev20260603
libtpu: 0.0.44.dev20260713+nightly
codegen_flags: <defaults>
</compile_context>

<pallas_src>
import jax
import jax.numpy as jnp
from jax import lax
from jax.experimental import pallas as pl
from jax.experimental.pallas import tpu as pltpu
from jax.experimental.pallas import tpu_sc as plsc

N_NODES = 100000
NUM_TYPES = 16
R_MAX = 5.0

NC = 2
NS = 16
L = 16
NW = NC * NS
N_EDGES = 6400000
CH_EDGES = 2048
N_GROUPS = CH_EDGES // L
TOTAL_CHUNKS = N_EDGES // CH_EDGES
KMAX = -(-TOTAL_CHUNKS // NW)
N_STRIDE = 100352
SPEC_WORDS = N_NODES // 8


def _sc_body(len_h, ei_h, spec4_h, t13_h, out_h,
             acc_v, spec4_v, t13_v, len_v, ctr_v, nbr_v, lsem):
    c = lax.axis_index("c")
    s = lax.axis_index("s")
    wid = s * NC + c

    pltpu.sync_copy(spec4_h, spec4_v)
    pltpu.sync_copy(t13_h, t13_v)

    zero16 = jnp.zeros((L,), jnp.float32)

    @plsc.parallel_loop(0, N_NODES // L, unroll=4)
    def _zero(i):
        acc_v[pl.ds(i * L, L)] = zero16

    inv_rmax = jnp.float32(1.0 / R_MAX)

    def fire_loads(k):
        cid = k * NW + wid
        b = lax.rem(k, 2)

        @pl.when(cid < TOTAL_CHUNKS)
        def _():
            e0 = cid * CH_EDGES
            pltpu.async_copy(len_h.at[pl.ds(e0, CH_EDGES)], len_v.at[b], lsem)
            pltpu.async_copy(ei_h.at[0, pl.ds(e0, CH_EDGES)], ctr_v.at[b], lsem)
            pltpu.async_copy(ei_h.at[1, pl.ds(e0, CH_EDGES)], nbr_v.at[b], lsem)

    def wait_loads(k):
        cid = k * NW + wid
        b = lax.rem(k, 2)

        @pl.when(cid < TOTAL_CHUNKS)
        def _():
            e0 = cid * CH_EDGES
            pltpu.make_async_copy(len_h.at[pl.ds(e0, CH_EDGES)], len_v.at[b],
                                  lsem).wait()
            pltpu.make_async_copy(ei_h.at[0, pl.ds(e0, CH_EDGES)],
                                  ctr_v.at[b], lsem).wait()
            pltpu.make_async_copy(ei_h.at[1, pl.ds(e0, CH_EDGES)],
                                  nbr_v.at[b], lsem).wait()

    def unpack_species(word, idx):
        sh = (idx & 7) << 2
        return lax.shift_right_logical(word, sh) & 0xF

    fire_loads(0)

    def step(k, _):
        b = lax.rem(k, 2)
        cid = k * NW + wid
        fire_loads(k + 1)
        wait_loads(k)

        @pl.when(cid < TOTAL_CHUNKS)
        def _():
            @plsc.parallel_loop(0, N_GROUPS)
            def _grp(g):
                sl = pl.ds(g * L, L)
                ln = len_v[b, sl]
                ci = ctr_v[b, sl]
                ni = nbr_v[b, sl]
                wc = plsc.load_gather(spec4_v,
                                      [lax.shift_right_logical(ci, 3)])
                wn = plsc.load_gather(spec4_v,
                                      [lax.shift_right_logical(ni, 3)])
                sp_c = unpack_species(wc, ci)
                sp_n = unpack_species(wn, ni)
                t13 = plsc.load_gather(t13_v, [(sp_c << 4) | sp_n])
                inv = 1.0 / ln
                i2 = inv * inv
                i4 = i2 * i2
                i8 = i4 * i4
                i12 = i8 * i4
                rr = ln * inv_rmax
                r2 = rr * rr
                r6 = r2 * r2 * r2
                poly = 1.0 + r6 * (-28.0 + rr * (48.0 - 21.0 * rr))
                cut = jnp.where(rr < 1.0, poly, jnp.float32(0.0))
                plsc.addupdate_scatter(acc_v, [ci], i12 * t13 * cut)

        return 0

    lax.fori_loop(0, KMAX, step, 0)

    pltpu.sync_copy(acc_v, out_h.at[pl.ds(wid * N_STRIDE, N_NODES)])


def _combine_body(pae_ref, p_ref, o_ref):
    acc = pae_ref[...]
    for w in range(NW):
        acc = acc + p_ref[pl.ds(w * N_STRIDE, N_NODES)]
    o_ref[...] = acc


@jax.jit
def _impl(edge_length, edge_index, atom_type, per_atom_energy, per_edge_scales):
    species = atom_type[:, 0].astype(jnp.uint32)
    shifts = (jnp.arange(8, dtype=jnp.uint32) * 4)[None, :]
    spec4 = lax.bitcast_convert_type(
        (species.reshape(SPEC_WORDS, 8) << shifts).sum(
            axis=1, dtype=jnp.uint32), jnp.int32)
    ei = edge_index.astype(jnp.int32)
    t13 = (per_edge_scales.astype(jnp.float32) ** 13 / 24.0).reshape(-1)

    mesh = plsc.VectorSubcoreMesh(core_axis_name="c", subcore_axis_name="s")
    partial = pl.kernel(
        _sc_body,
        out_type=jax.ShapeDtypeStruct((NW * N_STRIDE,), jnp.float32),
        mesh=mesh,
        compiler_params=pltpu.CompilerParams(needs_layout_passes=False),
        scratch_types=[
            pltpu.VMEM((N_NODES,), jnp.float32),
            pltpu.VMEM((SPEC_WORDS,), jnp.int32),
            pltpu.VMEM((NUM_TYPES * NUM_TYPES,), jnp.float32),
            pltpu.VMEM((2, CH_EDGES), jnp.float32),
            pltpu.VMEM((2, CH_EDGES), jnp.int32),
            pltpu.VMEM((2, CH_EDGES), jnp.int32),
            pltpu.SemaphoreType.DMA,
        ],
    )(edge_length, ei, spec4, t13)

    pae = per_atom_energy[:, 0]
    out = pl.pallas_call(
        _combine_body,
        out_shape=jax.ShapeDtypeStruct((N_NODES,), jnp.float32),
    )(pae, partial)
    return out[:, None]


def kernel(edge_length, edge_index, atom_type, per_atom_energy, per_edge_scales):
    return _impl(edge_length, edge_index, atom_type, per_atom_energy,
                 per_edge_scales)

# --- scband reference (transcript-rebuilt; emitter-appended) ---
"""Pipeline reference for scband-edgewise-energy-sum-71365176590609 (READ-ONLY COPY).

The authoritative reference and input builder live on the scoring server;
editing this copy changes nothing except your own understanding.
"""

import jax, jax.numpy as jnp
import numpy as np

N_NODES = 100000
N_EDGES = 6400000
NUM_TYPES = 16
R_MAX = 5.0
P = 6.0


def polynomial_cutoff(x, r_max=R_MAX, p=P):
    # nequip PolynomialCutoff with p=6
    r = x / r_max
    out = (
        1.0
        - ((p + 1.0) * (p + 2.0) / 2.0) * jnp.power(r, p)
        + p * (p + 2.0) * jnp.power(r, p + 1.0)
        - (p * (p + 1.0) / 2.0) * jnp.power(r, p + 2.0)
    )
    return out * (r < 1.0)


def setup_inputs(seed: int = 0) -> dict:
    key = jax.random.key(seed)
    k1, k2, k3 = jax.random.split(key, 3)
    # edge lengths: positive bond lengths, some beyond r_max so cutoff zeroes them
    edge_length = jax.random.uniform(k1, (N_EDGES,), dtype=jnp.float32, minval=0.5, maxval=6.0)
    edge_index = jax.random.randint(k2, (2, N_EDGES), 0, N_NODES)
    atom_type = jax.random.randint(k3, (N_NODES, 1), 0, NUM_TYPES)
    per_atom_energy = jnp.zeros((N_NODES, 1), dtype=jnp.float32)
    # parameter (requires_grad=False in torch): ones since min_bond_len defaults to {}
    per_edge_scales = jnp.ones((NUM_TYPES, NUM_TYPES), dtype=jnp.float32)
    return {
        "edge_length": edge_length,
        "edge_index": edge_index,
        "atom_type": atom_type,
        "per_atom_energy": per_atom_energy,
        "per_edge_scales": per_edge_scales,
    }


def reference(edge_length, edge_index, atom_type, per_atom_energy, per_edge_scales):
    species = atom_type.squeeze(-1)                       # [N]
    edge_center = edge_index[0]                           # [E]
    edge_neighbor = edge_index[1]                         # [E]
    center_species = species[edge_center]                 # gather [E]
    neighbor_species = species[edge_neighbor]             # gather [E]
    l0 = per_edge_scales[center_species, neighbor_species]  # 2D gather [E]
    edge_eng = jnp.power(edge_length / l0, -12.0) / 24.0 * l0 * polynomial_cutoff(edge_length)
    edge_eng = edge_eng[:, None]                          # [E, 1]
    atom_eng = jax.ops.segment_sum(edge_eng, edge_center, num_segments=species.shape[0])  # scatter-add [N, 1]
    return per_atom_energy + atom_eng

if __name__ == "__main__":
    import jax
    _d = setup_inputs()
    print(jax.jit(kernel)(*tuple(_d.values())))

</pallas_src>

<mosaic_0001>
#map = affine_map<(d0, d1) -> (0)>
#map1 = affine_map<(d0, d1) -> (0, 0)>
module attributes {stable_mosaic.version = 14 : i64} {
  func.func @_sc_body(%arg0: i32, %arg1: i32, %arg2: memref<6400000xf32, #tpu.memory_space<hbm>>, %arg3: memref<2x6400000xi32, #tpu.memory_space<hbm>>, %arg4: memref<12500xi32, #tpu.memory_space<hbm>>, %arg5: memref<256xf32, #tpu.memory_space<hbm>>, %arg6: memref<3211264xf32, #tpu.memory_space<hbm>>, %arg7: memref<100000xf32, #tpu.memory_space<vmem>>, %arg8: memref<12500xi32, #tpu.memory_space<vmem>>, %arg9: memref<256xf32, #tpu.memory_space<vmem>>, %arg10: memref<2x2048xf32, #tpu.memory_space<vmem>>, %arg11: memref<2x2048xi32, #tpu.memory_space<vmem>>, %arg12: memref<2x2048xi32, #tpu.memory_space<vmem>>, %arg13: memref<!tpu.dma_semaphore, #tpu.memory_space<semaphore_mem>>) attributes {dimension_semantics = [#tpu.dimension_semantics<core_parallel>, #tpu.dimension_semantics<subcore_parallel>], iteration_bounds = array<i64: 2, 16>, scalar_prefetch = 0 : i64, scratch_operands = 7 : i64, tpu.core_type = #tpu.core_type<sc_vector_subcore>, window_params = [{transform_indices = #map}, {transform_indices = #map1}, {transform_indices = #map}, {transform_indices = #map}, {transform_indices = #map}]} {
    %mul3A = arith.constant 2 : i32
    %mul3A_0 = arith.muli %arg1, %mul3A : i32
    %add3A = arith.addi %mul3A_0, %arg0 : i32
    "tpu.region"() ({
      %run_scoped3A = tpu.sem_alloc : memref<!tpu.dma_semaphore, #tpu.memory_space<semaphore_mem>>
      tpu.enqueue_dma source(%arg4 : memref<12500xi32, #tpu.memory_space<hbm>>) target(%arg8 : memref<12500xi32, #tpu.memory_space<vmem>>) target_semaphore(%run_scoped3A : memref<!tpu.dma_semaphore, #tpu.memory_space<semaphore_mem>>)
      tpu.wait_dma2 semaphore(%run_scoped3A : memref<!tpu.dma_semaphore, #tpu.memory_space<semaphore_mem>>) src(%arg4 : memref<12500xi32, #tpu.memory_space<hbm>>) dst(%arg8 : memref<12500xi32, #tpu.memory_space<vmem>>)
      tpu.yield
    }) : () -> ()
    "tpu.region"() ({
      %run_scoped3A = tpu.sem_alloc : memref<!tpu.dma_semaphore, #tpu.memory_space<semaphore_mem>>
      tpu.enqueue_dma source(%arg5 : memref<256xf32, #tpu.memory_space<hbm>>) target(%arg9 : memref<256xf32, #tpu.memory_space<vmem>>) target_semaphore(%run_scoped3A : memref<!tpu.dma_semaphore, #tpu.memory_space<semaphore_mem>>)
      tpu.wait_dma2 semaphore(%run_scoped3A : memref<!tpu.dma_semaphore, #tpu.memory_space<semaphore_mem>>) src(%arg5 : memref<256xf32, #tpu.memory_space<hbm>>) dst(%arg9 : memref<256xf32, #tpu.memory_space<vmem>>)
      tpu.yield
    }) : () -> ()
    %broadcast_in_dim3A = arith.constant 0.000000e+00 : f32
    %broadcast_in_dim3A_1 = vector.broadcast %broadcast_in_dim3A : f32 to vector<16xf32>
    %parallel_loop3A = arith.constant 0 : i32
    %parallel_loop3A_2 = arith.constant 6250 : i32
    %parallel_loop3A_3 = arith.constant 1 : i32
    scf.for %parallel_loop3A_19 = %parallel_loop3A to %parallel_loop3A_2 step %parallel_loop3A_3  : i32 {
      %parallel_loop3A_20 = arith.constant 16 : i32
      %parallel_loop3A_21 = arith.muli %parallel_loop3A_19, %parallel_loop3A_20 : i32
      %parallel_loop3A_22 = arith.index_cast %parallel_loop3A_21 : i32 to index
      %parallel_loop3A_23 = tpu.vector_load %arg7[%parallel_loop3A_22] {strides = array<i32>} : memref<100000xf32, #tpu.memory_space<vmem>>, vector<16xf32>,
      tpu.vector_store %arg7[%parallel_loop3A_22], %broadcast_in_dim3A_1 {strides = array<i32>} : memref<100000xf32, #tpu.memory_space<vmem>>, vector<16xf32>,
    } {sc.loop_unroll_factor = 4 : i64, sc.parallel_access}
    %add3A_4 = arith.constant 0 : i32
    %add3A_5 = arith.addi %add3A_4, %add3A : i32
    %rem3A = arith.constant 0 : i32
    %rem3A_6 = arith.constant 2 : i32
    %rem3A_7 = arith.remsi %rem3A, %rem3A_6 : i32
    %lt3A = arith.constant 3125 : i32
    %lt3A_8 = arith.cmpi slt, %add3A_5, %lt3A : i32
    %convert_element_type3A = arith.extui %lt3A_8 : i1 to i32
    %cond3A = arith.constant 0 : i32
    %cond3A_9 = arith.cmpi ne, %convert_element_type3A, %cond3A : i32
    scf.if %cond3A_9 {
      %mul3A_19 = arith.constant 2048 : i32
      %mul3A_20 = arith.muli %add3A_5, %mul3A_19 : i32
      %dma_start3A = arith.constant 0 : i32
      %dma_start3A_21 = tpu.memref_slice %arg10[%rem3A_7, %dma_start3A] : memref<2x2048xf32, #tpu.memory_space<vmem>> -> memref<1x2048xf32, #tpu.memory_space<vmem>>
      %dma_start3A_22 = tpu.memref_squeeze %dma_start3A_21 : memref<1x2048xf32, #tpu.memory_space<vmem>> -> memref<2048xf32, #tpu.memory_space<vmem>>
      %dma_start3A_23 = tpu.memref_slice %arg2[%mul3A_20] : memref<6400000xf32, #tpu.memory_space<hbm>> -> memref<2048xf32, #tpu.memory_space<hbm>>
      %dma_start3A_24 = arith.constant 0 : i32
      %dma_start3A_25 = tpu.memref_slice %arg10[%rem3A_7, %dma_start3A_24] : memref<2x2048xf32, #tpu.memory_space<vmem>> -> memref<1x2048xf32, #tpu.memory_space<vmem>>
      %dma_start3A_26 = tpu.memref_squeeze %dma_start3A_25 : memref<1x2048xf32, #tpu.memory_space<vmem>> -> memref<2048xf32, #tpu.memory_space<vmem>>
      %dma_start3A_27 = tpu.memref_slice %arg2[%mul3A_20] : memref<6400000xf32, #tpu.memory_space<hbm>> -> memref<2048xf32, #tpu.memory_space<hbm>>
      tpu.enqueue_dma source(%dma_start3A_27 : memref<2048xf32, #tpu.memory_space<hbm>>) target(%dma_start3A_26 : memref<2048xf32, #tpu.memory_space<vmem>>) target_semaphore(%arg13 : memref<!tpu.dma_semaphore, #tpu.memory_space<semaphore_mem>>)
      %dma_start3A_28 = arith.constant 0 : i32
      %dma_start3A_29 = arith.constant 0 : i32
      %dma_start3A_30 = tpu.memref_slice %arg11[%rem3A_7, %dma_start3A_29] : memref<2x2048xi32, #tpu.memory_space<vmem>> -> memref<1x2048xi32, #tpu.memory_space<vmem>>
      %dma_start3A_31 = tpu.memref_squeeze %dma_start3A_30 : memref<1x2048xi32, #tpu.memory_space<vmem>> -> memref<2048xi32, #tpu.memory_space<vmem>>
      %dma_start3A_32 = tpu.memref_slice %arg3[%dma_start3A_28, %mul3A_20] : memref<2x6400000xi32, #tpu.memory_space<hbm>> -> memref<1x2048xi32, #tpu.memory_space<hbm>>
      %dma_start3A_33 = tpu.memref_squeeze %dma_start3A_32 : memref<1x2048xi32, #tpu.memory_space<hbm>> -> memref<2048xi32, #tpu.memory_space<hbm>>
      %dma_start3A_34 = arith.constant 0 : i32
      %dma_start3A_35 = tpu.memref_slice %arg11[%rem3A_7, %dma_start3A_34] : memref<2x2048xi32, #tpu.memory_space<vmem>> -> memref<1x2048xi32, #tpu.memory_space<vmem>>
      %dma_start3A_36 = tpu.memref_squeeze %dma_start3A_35 : memref<1x2048xi32, #tpu.memory_space<vmem>> -> memref<2048xi32, #tpu.memory_space<vmem>>
      %dma_start3A_37 = tpu.memref_slice %arg3[%dma_start3A_28, %mul3A_20] : memref<2x6400000xi32, #tpu.memory_space<hbm>> -> memref<1x2048xi32, #tpu.memory_space<hbm>>
      %dma_start3A_38 = tpu.memref_squeeze %dma_start3A_37 : memref<1x2048xi32, #tpu.memory_space<hbm>> -> memref<2048xi32, #tpu.memory_space<hbm>>
      tpu.enqueue_dma source(%dma_start3A_38 : memref<2048xi32, #tpu.memory_space<hbm>>) target(%dma_start3A_36 : memref<2048xi32, #tpu.memory_space<vmem>>) target_semaphore(%arg13 : memref<!tpu.dma_semaphore, #tpu.memory_space<semaphore_mem>>)
      %dma_start3A_39 = arith.constant 1 : i32
      %dma_start3A_40 = arith.constant 0 : i32
      %dma_start3A_41 = tpu.memref_slice %arg12[%rem3A_7, %dma_start3A_40] : memref<2x2048xi32, #tpu.memory_space<vmem>> -> memref<1x2048xi32, #tpu.memory_space<vmem>>
      %dma_start3A_42 = tpu.memref_squeeze %dma_start3A_41 : memref<1x2048xi32, #tpu.memory_space<vmem>> -> memref<2048xi32, #tpu.memory_space<vmem>>
      %dma_start3A_43 = tpu.memref_slice %arg3[%dma_start3A_39, %mul3A_20] : memref<2x6400000xi32, #tpu.memory_space<hbm>> -> memref<1x2048xi32, #tpu.memory_space<hbm>>
      %dma_start3A_44 = tpu.memref_squeeze %dma_start3A_43 : memref<1x2048xi32, #tpu.memory_space<hbm>> -> memref<2048xi32, #tpu.memory_space<hbm>>
      %dma_start3A_45 = arith.constant 0 : i32
      %dma_start3A_46 = tpu.memref_slice %arg12[%rem3A_7, %dma_start3A_45] : memref<2x2048xi32, #tpu.memory_space<vmem>> -> memref<1x2048xi32, #tpu.memory_space<vmem>>
      %dma_start3A_47 = tpu.memref_squeeze %dma_start3A_46 : memref<1x2048xi32, #tpu.memory_space<vmem>> -> memref<2048xi32, #tpu.memory_space<vmem>>
      %dma_start3A_48 = tpu.memref_slice %arg3[%dma_start3A_39, %mul3A_20] : memref<2x6400000xi32, #tpu.memory_space<hbm>> -> memref<1x2048xi32, #tpu.memory_space<hbm>>
      %dma_start3A_49 = tpu.memref_squeeze %dma_start3A_48 : memref<1x2048xi32, #tpu.memory_space<hbm>> -> memref<2048xi32, #tpu.memory_space<hbm>>
      tpu.enqueue_dma source(%dma_start3A_49 : memref<2048xi32, #tpu.memory_space<hbm>>) target(%dma_start3A_47 : memref<2048xi32, #tpu.memory_space<vmem>>) target_semaphore(%arg13 : memref<!tpu.dma_semaphore, #tpu.memory_space<semaphore_mem>>)
    } else {
    }
    %scan3A = arith.constant 2.000000e-01 : f32
    %scan3A_10 = arith.constant 0 : i32
    %scan3A_11 = arith.constant 0 : i32
    %scan3A_12 = arith.constant 98 : i32
    %scan3A_13 = arith.addi %scan3A_11, %scan3A_12 : i32
    %scan3A_14 = arith.constant 1 : i32
    %scan3A_15 = scf.for %scan3A_19 = %scan3A_11 to %scan3A_13 step %scan3A_14 iter_args(%scan3A_20 = %scan3A_10) -> (i32)  : i32 {
      %rem3A_21 = arith.constant 2 : i32
      %rem3A_22 = arith.remsi %scan3A_19, %rem3A_21 : i32
      %mul3A_23 = arith.constant 32 : i32
      %mul3A_24 = arith.muli %scan3A_19, %mul3A_23 : i32
      %add3A_25 = arith.addi %mul3A_24, %add3A : i32
      %add3A_26 = arith.constant 1 : i32
      %add3A_27 = arith.addi %scan3A_19, %add3A_26 : i32
      %mul3A_28 = arith.constant 32 : i32
      %mul3A_29 = arith.muli %add3A_27, %mul3A_28 : i32
      %add3A_30 = arith.addi %mul3A_29, %add3A : i32
      %rem3A_31 = arith.constant 2 : i32
      %rem3A_32 = arith.remsi %add3A_27, %rem3A_31 : i32
      %lt3A_33 = arith.constant 3125 : i32
      %lt3A_34 = arith.cmpi slt, %add3A_30, %lt3A_33 : i32
      %convert_element_type3A_35 = arith.extui %lt3A_34 : i1 to i32
      %cond3A_36 = arith.constant 0 : i32
      %cond3A_37 = arith.cmpi ne, %convert_element_type3A_35, %cond3A_36 : i32
      scf.if %cond3A_37 {
        %mul3A_54 = arith.constant 2048 : i32
        %mul3A_55 = arith.muli %add3A_30, %mul3A_54 : i32
        %dma_start3A = arith.constant 0 : i32
        %dma_start3A_56 = tpu.memref_slice %arg10[%rem3A_32, %dma_start3A] : memref<2x2048xf32, #tpu.memory_space<vmem>> -> memref<1x2048xf32, #tpu.memory_space<vmem>>
        %dma_start3A_57 = tpu.memref_squeeze %dma_start3A_56 : memref<1x2048xf32, #tpu.memory_space<vmem>> -> memref<2048xf32, #tpu.memory_space<vmem>>
        %dma_start3A_58 = tpu.memref_slice %arg2[%mul3A_55] : memref<6400000xf32, #tpu.memory_space<hbm>> -> memref<2048xf32, #tpu.memory_space<hbm>>
        %dma_start3A_59 = arith.constant 0 : i32
        %dma_start3A_60 = tpu.memref_slice %arg10[%rem3A_32, %dma_start3A_59] : memref<2x2048xf32, #tpu.memory_space<vmem>> -> memref<1x2048xf32, #tpu.memory_space<vmem>>
        %dma_start3A_61 = tpu.memref_squeeze %dma_start3A_60 : memref<1x2048xf32, #tpu.memory_space<vmem>> -> memref<2048xf32, #tpu.memory_space<vmem>>
        %dma_start3A_62 = tpu.memref_slice %arg2[%mul3A_55] : memref<6400000xf32, #tpu.memory_space<hbm>> -> memref<2048xf32, #tpu.memory_space<hbm>>
        tpu.enqueue_dma source(%dma_start3A_62 : memref<2048xf32, #tpu.memory_space<hbm>>) target(%dma_start3A_61 : memref<2048xf32, #tpu.memory_space<vmem>>) target_semaphore(%arg13 : memref<!tpu.dma_semaphore, #tpu.memory_space<semaphore_mem>>)
        %dma_start3A_63 = arith.constant 0 : i32
        %dma_start3A_64 = arith.constant 0 : i32
        %dma_start3A_65 = tpu.memref_slice %arg11[%rem3A_32, %dma_start3A_64] : memref<2x2048xi32, #tpu.memory_space<vmem>> -> memref<1x2048xi32, #tpu.memory_space<vmem>>
        %dma_start3A_66 = tpu.memref_squeeze %dma_start3A_65 : memref<1x2048xi32, #tpu.memory_space<vmem>> -> memref<2048xi32, #tpu.memory_space<vmem>>
        %dma_start3A_67 = tpu.memref_slice %arg3[%dma_start3A_63, %mul3A_55] : memref<2x6400000xi32, #tpu.memory_space<hbm>> -> memref<1x2048xi32, #tpu.memory_space<hbm>>
        %dma_start3A_68 = tpu.memref_squeeze %dma_start3A_67 : memref<1x2048xi32, #tpu.memory_space<hbm>> -> memref<2048xi32, #tpu.memory_space<hbm>>
        %dma_start3A_69 = arith.constant 0 : i32
        %dma_start3A_70 = tpu.memref_slice %arg11[%rem3A_32, %dma_start3A_69] : memref<2x2048xi32, #tpu.memory_space<vmem>> -> memref<1x2048xi32, #tpu.memory_space<vmem>>
        %dma_start3A_71 = tpu.memref_squeeze %dma_start3A_70 : memref<1x2048xi32, #tpu.memory_space<vmem>> -> memref<2048xi32, #tpu.memory_space<vmem>>
        %dma_start3A_72 = tpu.memref_slice %arg3[%dma_start3A_63, %mul3A_55] : memref<2x6400000xi32, #tpu.memory_space<hbm>> -> memref<1x2048xi32, #tpu.memory_space<hbm>>
        %dma_start3A_73 = tpu.memref_squeeze %dma_start3A_72 : memref<1x2048xi32, #tpu.memory_space<hbm>> -> memref<2048xi32, #tpu.memory_space<hbm>>
        tpu.enqueue_dma source(%dma_start3A_73 : memref<2048xi32, #tpu.memory_space<hbm>>) target(%dma_start3A_71 : memref<2048xi32, #tpu.memory_space<vmem>>) target_semaphore(%arg13 : memref<!tpu.dma_semaphore, #tpu.memory_space<semaphore_mem>>)
        %dma_start3A_74 = arith.constant 1 : i32
        %dma_start3A_75 = arith.constant 0 : i32
        %dma_start3A_76 = tpu.memref_slice %arg12[%rem3A_32, %dma_start3A_75] : memref<2x2048xi32, #tpu.memory_space<vmem>> -> memref<1x2048xi32, #tpu.memory_space<vmem>>
        %dma_start3A_77 = tpu.memref_squeeze %dma_start3A_76 : memref<1x2048xi32, #tpu.memory_space<vmem>> -> memref<2048xi32, #tpu.memory_space<vmem>>
        %dma_start3A_78 = tpu.memref_slice %arg3[%dma_start3A_74, %mul3A_55] : memref<2x6400000xi32, #tpu.memory_space<hbm>> -> memref<1x2048xi32, #tpu.memory_space<hbm>>
        %dma_start3A_79 = tpu.memref_squeeze %dma_start3A_78 : memref<1x2048xi32, #tpu.memory_space<hbm>> -> memref<2048xi32, #tpu.memory_space<hbm>>
        %dma_start3A_80 = arith.constant 0 : i32
        %dma_start3A_81 = tpu.memref_slice %arg12[%rem3A_32, %dma_start3A_80] : memref<2x2048xi32, #tpu.memory_space<vmem>> -> memref<1x2048xi32, #tpu.memory_space<vmem>>
        %dma_start3A_82 = tpu.memref_squeeze %dma_start3A_81 : memref<1x2048xi32, #tpu.memory_space<vmem>> -> memref<2048xi32, #tpu.memory_space<vmem>>
        %dma_start3A_83 = tpu.memref_slice %arg3[%dma_start3A_74, %mul3A_55] : memref<2x6400000xi32, #tpu.memory_space<hbm>> -> memref<1x2048xi32, #tpu.memory_space<hbm>>
        %dma_start3A_84 = tpu.memref_squeeze %dma_start3A_83 : memref<1x2048xi32, #tpu.memory_space<hbm>> -> memref<2048xi32, #tpu.memory_space<hbm>>
        tpu.enqueue_dma source(%dma_start3A_84 : memref<2048xi32, #tpu.memory_space<hbm>>) target(%dma_start3A_82 : memref<2048xi32, #tpu.memory_space<vmem>>) target_semaphore(%arg13 : memref<!tpu.dma_semaphore, #tpu.memory_space<semaphore_mem>>)
      } else {
      }
      %mul3A_38 = arith.constant 32 : i32
      %mul3A_39 = arith.muli %scan3A_19, %mul3A_38 : i32
      %add3A_40 = arith.addi %mul3A_39, %add3A : i32
      %rem3A_41 = arith.constant 2 : i32
      %rem3A_42 = arith.remsi %scan3A_19, %rem3A_41 : i32
      %lt3A_43 = arith.constant 3125 : i32
      %lt3A_44 = arith.cmpi slt, %add3A_40, %lt3A_43 : i32
      %convert_element_type3A_45 = arith.extui %lt3A_44 : i1 to i32
      %cond3A_46 = arith.constant 0 : i32
      %cond3A_47 = arith.cmpi ne, %convert_element_type3A_45, %cond3A_46 : i32
      scf.if %cond3A_47 {
        %mul3A_54 = arith.constant 2048 : i32
        %mul3A_55 = arith.muli %add3A_40, %mul3A_54 : i32
        %dma_wait3A = arith.constant 0 : i32
        %dma_wait3A_56 = tpu.memref_slice %arg10[%rem3A_42, %dma_wait3A] : memref<2x2048xf32, #tpu.memory_space<vmem>> -> memref<1x2048xf32, #tpu.memory_space<vmem>>
        %dma_wait3A_57 = tpu.memref_squeeze %dma_wait3A_56 : memref<1x2048xf32, #tpu.memory_space<vmem>> -> memref<2048xf32, #tpu.memory_space<vmem>>
        %dma_wait3A_58 = tpu.memref_slice %arg2[%mul3A_55] : memref<6400000xf32, #tpu.memory_space<hbm>> -> memref<2048xf32, #tpu.memory_space<hbm>>
        %dma_wait3A_59 = arith.constant 0 : i32
        %dma_wait3A_60 = tpu.memref_slice %arg10[%rem3A_42, %dma_wait3A_59] : memref<2x2048xf32, #tpu.memory_space<vmem>> -> memref<1x2048xf32, #tpu.memory_space<vmem>>
        %dma_wait3A_61 = tpu.memref_squeeze %dma_wait3A_60 : memref<1x2048xf32, #tpu.memory_space<vmem>> -> memref<2048xf32, #tpu.memory_space<vmem>>
        %dma_wait3A_62 = tpu.memref_slice %arg2[%mul3A_55] : memref<6400000xf32, #tpu.memory_space<hbm>> -> memref<2048xf32, #tpu.memory_space<hbm>>
        tpu.wait_dma2 semaphore(%arg13 : memref<!tpu.dma_semaphore, #tpu.memory_space<semaphore_mem>>) src(%dma_wait3A_62 : memref<2048xf32, #tpu.memory_space<hbm>>) dst(%dma_wait3A_61 : memref<2048xf32, #tpu.memory_space<vmem>>)
        %dma_wait3A_63 = arith.constant 0 : i32
        %dma_wait3A_64 = arith.constant 0 : i32
        %dma_wait3A_65 = tpu.memref_slice %arg11[%rem3A_42, %dma_wait3A_64] : memref<2x2048xi32, #tpu.memory_space<vmem>> -> memref<1x2048xi32, #tpu.memory_space<vmem>>
        %dma_wait3A_66 = tpu.memref_squeeze %dma_wait3A_65 : memref<1x2048xi32, #tpu.memory_space<vmem>> -> memref<2048xi32, #tpu.memory_space<vmem>>
        %dma_wait3A_67 = tpu.memref_slice %arg3[%dma_wait3A_63, %mul3A_55] : memref<2x6400000xi32, #tpu.memory_space<hbm>> -> memref<1x2048xi32, #tpu.memory_space<hbm>>
        %dma_wait3A_68 = tpu.memref_squeeze %dma_wait3A_67 : memref<1x2048xi32, #tpu.memory_space<hbm>> -> memref<2048xi32, #tpu.memory_space<hbm>>
        %dma_wait3A_69 = arith.constant 0 : i32
        %dma_wait3A_70 = tpu.memref_slice %arg11[%rem3A_42, %dma_wait3A_69] : memref<2x2048xi32, #tpu.memory_space<vmem>> -> memref<1x2048xi32, #tpu.memory_space<vmem>>
        %dma_wait3A_71 = tpu.memref_squeeze %dma_wait3A_70 : memref<1x2048xi32, #tpu.memory_space<vmem>> -> memref<2048xi32, #tpu.memory_space<vmem>>
        %dma_wait3A_72 = tpu.memref_slice %arg3[%dma_wait3A_63, %mul3A_55] : memref<2x6400000xi32, #tpu.memory_space<hbm>> -> memref<1x2048xi32, #tpu.memory_space<hbm>>
        %dma_wait3A_73 = tpu.memref_squeeze %dma_wait3A_72 : memref<1x2048xi32, #tpu.memory_space<hbm>> -> memref<2048xi32, #tpu.memory_space<hbm>>
        tpu.wait_dma2 semaphore(%arg13 : memref<!tpu.dma_semaphore, #tpu.memory_space<semaphore_mem>>) src(%dma_wait3A_73 : memref<2048xi32, #tpu.memory_space<hbm>>) dst(%dma_wait3A_71 : memref<2048xi32, #tpu.memory_space<vmem>>)
        %dma_wait3A_74 = arith.constant 1 : i32
        %dma_wait3A_75 = arith.constant 0 : i32
        %dma_wait3A_76 = tpu.memref_slice %arg12[%rem3A_42, %dma_wait3A_75] : memref<2x2048xi32, #tpu.memory_space<vmem>> -> memref<1x2048xi32, #tpu.memory_space<vmem>>
        %dma_wait3A_77 = tpu.memref_squeeze %dma_wait3A_76 : memref<1x2048xi32, #tpu.memory_space<vmem>> -> memref<2048xi32, #tpu.memory_space<vmem>>
        %dma_wait3A_78 = tpu.memref_slice %arg3[%dma_wait3A_74, %mul3A_55] : memref<2x6400000xi32, #tpu.memory_space<hbm>> -> memref<1x2048xi32, #tpu.memory_space<hbm>>
        %dma_wait3A_79 = tpu.memref_squeeze %dma_wait3A_78 : memref<1x2048xi32, #tpu.memory_space<hbm>> -> memref<2048xi32, #tpu.memory_space<hbm>>
        %dma_wait3A_80 = arith.constant 0 : i32
        %dma_wait3A_81 = tpu.memref_slice %arg12[%rem3A_42, %dma_wait3A_80] : memref<2x2048xi32, #tpu.memory_space<vmem>> -> memref<1x2048xi32, #tpu.memory_space<vmem>>
        %dma_wait3A_82 = tpu.memref_squeeze %dma_wait3A_81 : memref<1x2048xi32, #tpu.memory_space<vmem>> -> memref<2048xi32, #tpu.memory_space<vmem>>
        %dma_wait3A_83 = tpu.memref_slice %arg3[%dma_wait3A_74, %mul3A_55] : memref<2x6400000xi32, #tpu.memory_space<hbm>> -> memref<1x2048xi32, #tpu.memory_space<hbm>>
        %dma_wait3A_84 = tpu.memref_squeeze %dma_wait3A_83 : memref<1x2048xi32, #tpu.memory_space<hbm>> -> memref<2048xi32, #tpu.memory_space<hbm>>
        tpu.wait_dma2 semaphore(%arg13 : memref<!tpu.dma_semaphore, #tpu.memory_space<semaphore_mem>>) src(%dma_wait3A_84 : memref<2048xi32, #tpu.memory_space<hbm>>) dst(%dma_wait3A_82 : memref<2048xi32, #tpu.memory_space<vmem>>)
      } else {
      }
      %lt3A_48 = arith.constant 3125 : i32
      %lt3A_49 = arith.cmpi slt, %add3A_25, %lt3A_48 : i32
      %convert_element_type3A_50 = arith.extui %lt3A_49 : i1 to i32
      %cond3A_51 = arith.constant 0 : i32
      %cond3A_52 = arith.cmpi ne, %convert_element_type3A_50, %cond3A_51 : i32
      scf.if %cond3A_52 {
        %parallel_loop3A_54 = arith.constant 0 : i32
        %parallel_loop3A_55 = arith.constant 128 : i32
        %parallel_loop3A_56 = arith.constant 1 : i32
        scf.for %parallel_loop3A_57 = %parallel_loop3A_54 to %parallel_loop3A_55 step %parallel_loop3A_56  : i32 {
          %parallel_loop3A_58 = arith.constant 16 : i32
          %parallel_loop3A_59 = arith.muli %parallel_loop3A_57, %parallel_loop3A_58 : i32
          %parallel_loop3A_60 = arith.index_cast %rem3A_22 : i32 to index
          %parallel_loop3A_61 = arith.index_cast %parallel_loop3A_59 : i32 to index
          %parallel_loop3A_62 = tpu.vector_load %arg10[%parallel_loop3A_60, %parallel_loop3A_61] {strides = array<i32>} : memref<2x2048xf32, #tpu.memory_space<vmem>>, vector<16xf32>,
          %parallel_loop3A_63 = arith.index_cast %rem3A_22 : i32 to index
          %parallel_loop3A_64 = arith.index_cast %parallel_loop3A_59 : i32 to index
          %parallel_loop3A_65 = tpu.vector_load %arg11[%parallel_loop3A_63, %parallel_loop3A_64] {strides = array<i32>} : memref<2x2048xi32, #tpu.memory_space<vmem>>, vector<16xi32>,
          %parallel_loop3A_66 = arith.index_cast %rem3A_22 : i32 to index
          %parallel_loop3A_67 = arith.index_cast %parallel_loop3A_59 : i32 to index
          %parallel_loop3A_68 = tpu.vector_load %arg12[%parallel_loop3A_66, %parallel_loop3A_67] {strides = array<i32>} : memref<2x2048xi32, #tpu.memory_space<vmem>>, vector<16xi32>,
          %parallel_loop3A_69 = arith.constant 3 : i32
          %parallel_loop3A_70 = vector.broadcast %parallel_loop3A_69 : i32 to vector<16xi32>
          %parallel_loop3A_71 = arith.shrui %parallel_loop3A_65, %parallel_loop3A_70 : vector<16xi32>
          %parallel_loop3A_72 = tpu.vector_load_idx %arg8[%parallel_loop3A_71] : memref<12500xi32, #tpu.memory_space<vmem>>[vector<16xi32>], vector<16xi32>,
          %parallel_loop3A_73 = arith.constant 3 : i32
          %parallel_loop3A_74 = vector.broadcast %parallel_loop3A_73 : i32 to vector<16xi32>
          %parallel_loop3A_75 = arith.shrui %parallel_loop3A_68, %parallel_loop3A_74 : vector<16xi32>
          %parallel_loop3A_76 = tpu.vector_load_idx %arg8[%parallel_loop3A_75] : memref<12500xi32, #tpu.memory_space<vmem>>[vector<16xi32>], vector<16xi32>,
          %parallel_loop3A_77 = arith.constant 7 : i32
          %parallel_loop3A_78 = vector.broadcast %parallel_loop3A_77 : i32 to vector<16xi32>
          %parallel_loop3A_79 = arith.andi %parallel_loop3A_65, %parallel_loop3A_78 : vector<16xi32>
          %parallel_loop3A_80 = arith.constant 2 : i32
          %parallel_loop3A_81 = vector.broadcast %parallel_loop3A_80 : i32 to vector<16xi32>
          %parallel_loop3A_82 = arith.shli %parallel_loop3A_79, %parallel_loop3A_81 : vector<16xi32>
          %parallel_loop3A_83 = arith.shrui %parallel_loop3A_72, %parallel_loop3A_82 : vector<16xi32>
          %parallel_loop3A_84 = arith.constant 15 : i32
          %parallel_loop3A_85 = vector.broadcast %parallel_loop3A_84 : i32 to vector<16xi32>
          %parallel_loop3A_86 = arith.andi %parallel_loop3A_83, %parallel_loop3A_85 : vector<16xi32>
          %parallel_loop3A_87 = arith.constant 7 : i32
          %parallel_loop3A_88 = vector.broadcast %parallel_loop3A_87 : i32 to vector<16xi32>
          %parallel_loop3A_89 = arith.andi %parallel_loop3A_68, %parallel_loop3A_88 : vector<16xi32>
          %parallel_loop3A_90 = arith.constant 2 : i32
          %parallel_loop3A_91 = vector.broadcast %parallel_loop3A_90 : i32 to vector<16xi32>
          %parallel_loop3A_92 = arith.shli %parallel_loop3A_89, %parallel_loop3A_91 : vector<16xi32>
          %parallel_loop3A_93 = arith.shrui %parallel_loop3A_76, %parallel_loop3A_92 : vector<16xi32>
          %parallel_loop3A_94 = arith.constant 15 : i32
          %parallel_loop3A_95 = vector.broadcast %parallel_loop3A_94 : i32 to vector<16xi32>
          %parallel_loop3A_96 = arith.andi %parallel_loop3A_93, %parallel_loop3A_95 : vector<16xi32>
          %parallel_loop3A_97 = arith.constant 4 : i32
          %parallel_loop3A_98 = vector.broadcast %parallel_loop3A_97 : i32 to vector<16xi32>
          %parallel_loop3A_99 = arith.shli %parallel_loop3A_86, %parallel_loop3A_98 : vector<16xi32>
          %parallel_loop3A_100 = arith.ori %parallel_loop3A_99, %parallel_loop3A_96 : vector<16xi32>
          %parallel_loop3A_101 = tpu.vector_load_idx %arg9[%parallel_loop3A_100] : memref<256xf32, #tpu.memory_space<vmem>>[vector<16xi32>], vector<16xf32>,
          %parallel_loop3A_102 = arith.constant 1.000000e+00 : f32
          %parallel_loop3A_103 = vector.broadcast %parallel_loop3A_102 : f32 to vector<16xf32>
          %parallel_loop3A_104 = arith.divf %parallel_loop3A_103, %parallel_loop3A_62 : vector<16xf32>
          %parallel_loop3A_105 = arith.mulf %parallel_loop3A_104, %parallel_loop3A_104 : vector<16xf32>
          %parallel_loop3A_106 = arith.mulf %parallel_loop3A_105, %parallel_loop3A_105 : vector<16xf32>
          %parallel_loop3A_107 = arith.mulf %parallel_loop3A_106, %parallel_loop3A_106 : vector<16xf32>
          %parallel_loop3A_108 = arith.mulf %parallel_loop3A_107, %parallel_loop3A_106 : vector<16xf32>
          %parallel_loop3A_109 = vector.broadcast %scan3A : f32 to vector<16xf32>
          %parallel_loop3A_110 = arith.mulf %parallel_loop3A_62, %parallel_loop3A_109 : vector<16xf32>
          %parallel_loop3A_111 = arith.mulf %parallel_loop3A_110, %parallel_loop3A_110 : vector<16xf32>
          %parallel_loop3A_112 = arith.mulf %parallel_loop3A_111, %parallel_loop3A_111 : vector<16xf32>
          %parallel_loop3A_113 = arith.mulf %parallel_loop3A_112, %parallel_loop3A_111 : vector<16xf32>
          %parallel_loop3A_114 = arith.constant 2.100000e+01 : f32
          %parallel_loop3A_115 = vector.broadcast %parallel_loop3A_114 : f32 to vector<16xf32>
          %parallel_loop3A_116 = arith.mulf %parallel_loop3A_115, %parallel_loop3A_110 : vector<16xf32>
          %parallel_loop3A_117 = arith.constant 4.800000e+01 : f32
          %parallel_loop3A_118 = vector.broadcast %parallel_loop3A_117 : f32 to vector<16xf32>
          %parallel_loop3A_119 = arith.subf %parallel_loop3A_118, %parallel_loop3A_116 : vector<16xf32>
          %parallel_loop3A_120 = arith.mulf %parallel_loop3A_110, %parallel_loop3A_119 : vector<16xf32>
          %parallel_loop3A_121 = arith.constant -2.800000e+01 : f32
          %parallel_loop3A_122 = vector.broadcast %parallel_loop3A_121 : f32 to vector<16xf32>
          %parallel_loop3A_123 = arith.addf %parallel_loop3A_122, %parallel_loop3A_120 : vector<16xf32>
          %parallel_loop3A_124 = arith.mulf %parallel_loop3A_113, %parallel_loop3A_123 : vector<16xf32>
          %parallel_loop3A_125 = arith.constant 1.000000e+00 : f32
          %parallel_loop3A_126 = vector.broadcast %parallel_loop3A_125 : f32 to vector<16xf32>
          %parallel_loop3A_127 = arith.addf %parallel_loop3A_126, %parallel_loop3A_124 : vector<16xf32>
          %parallel_loop3A_128 = arith.constant 1.000000e+00 : f32
          %parallel_loop3A_129 = vector.broadcast %parallel_loop3A_128 : f32 to vector<16xf32>
          %parallel_loop3A_130 = arith.cmpf olt, %parallel_loop3A_110, %parallel_loop3A_129 : vector<16xf32>
          %parallel_loop3A_131 = arith.constant 0.000000e+00 : f32
          %parallel_loop3A_132 = vector.broadcast %parallel_loop3A_131 : f32 to vector<16xf32>
          %parallel_loop3A_133 = arith.select %parallel_loop3A_130, %parallel_loop3A_127, %parallel_loop3A_132 : vector<16xi1>, vector<16xf32>
          %parallel_loop3A_134 = arith.mulf %parallel_loop3A_108, %parallel_loop3A_101 : vector<16xf32>
          %parallel_loop3A_135 = arith.mulf %parallel_loop3A_134, %parallel_loop3A_133 : vector<16xf32>
          tpu.vector_store_idx %arg7[%parallel_loop3A_65], %parallel_loop3A_135 {add = true} : memref<100000xf32, #tpu.memory_space<vmem>>[vector<16xi32>], vector<16xf32>,
        } {sc.loop_unroll_factor = 1 : i64, sc.parallel_access}
      } else {
      }
      %scan3A_53 = arith.constant 0 : i32
      scf.yield %scan3A_53 : i32
    }
    %scan3A_16 = arith.constant 98 : i32
    %mul3A_17 = arith.constant 100352 : i32
    %mul3A_18 = arith.muli %add3A, %mul3A_17 : i32
    "tpu.region"() ({
      %run_scoped3A = tpu.sem_alloc : memref<!tpu.dma_semaphore, #tpu.memory_space<semaphore_mem>>
      %dma_start3A = tpu.memref_slice %arg6[%mul3A_18] : memref<3211264xf32, #tpu.memory_space<hbm>> -> memref<100000xf32, #tpu.memory_space<hbm>>
      %dma_start3A_19 = tpu.memref_slice %arg6[%mul3A_18] : memref<3211264xf32, #tpu.memory_space<hbm>> -> memref<100000xf32, #tpu.memory_space<hbm>>
      tpu.enqueue_dma source(%arg7 : memref<100000xf32, #tpu.memory_space<vmem>>) target(%dma_start3A_19 : memref<100000xf32, #tpu.memory_space<hbm>>) target_semaphore(%run_scoped3A : memref<!tpu.dma_semaphore, #tpu.memory_space<semaphore_mem>>)
      %dma_wait3A = tpu.memref_slice %arg6[%mul3A_18] : memref<3211264xf32, #tpu.memory_space<hbm>> -> memref<100000xf32, #tpu.memory_space<hbm>>
      %dma_wait3A_20 = tpu.memref_slice %arg6[%mul3A_18] : memref<3211264xf32, #tpu.memory_space<hbm>> -> memref<100000xf32, #tpu.memory_space<hbm>>
      tpu.wait_dma2 semaphore(%run_scoped3A : memref<!tpu.dma_semaphore, #tpu.memory_space<semaphore_mem>>) src(%arg7 : memref<100000xf32, #tpu.memory_space<vmem>>) dst(%dma_wait3A_20 : memref<100000xf32, #tpu.memory_space<hbm>>)
      tpu.yield
    }) : () -> ()
    return
  }
}

module attributes {stable_mosaic.version = 14 : i64} {
  func.func @_combine_body(%arg0: memref<100000xf32, #tpu.memory_space<vmem>>, %arg1: memref<3211264xf32, #tpu.memory_space<vmem>>, %arg2: memref<100000xf32, #tpu.memory_space<vmem>>) attributes {dimension_semantics = [], scalar_prefetch = 0 : i64, scratch_operands = 0 : i64, tpu.core_type = #tpu.core_type<tc>} {
    %get3A = arith.constant 0 : index
    %get3A_0 = vector.load %arg0[%get3A] : memref<100000xf32, #tpu.memory_space<vmem>>, vector<100000xf32>
    %get3A_1 = arith.constant 0 : index
    %get3A_2 = vector.load %arg1[%get3A_1] : memref<3211264xf32, #tpu.memory_space<vmem>>, vector<100000xf32>
    %add3A = arith.addf %get3A_0, %get3A_2 : vector<100000xf32>
    %get3A_3 = arith.constant 100352 : index
    %get3A_4 = vector.load %arg1[%get3A_3] : memref<3211264xf32, #tpu.memory_space<vmem>>, vector<100000xf32>
    %add3A_5 = arith.addf %add3A, %get3A_4 : vector<100000xf32>
    %get3A_6 = arith.constant 200704 : index
    %get3A_7 = vector.load %arg1[%get3A_6] : memref<3211264xf32, #tpu.memory_space<vmem>>, vector<100000xf32>
    %add3A_8 = arith.addf %add3A_5, %get3A_7 : vector<100000xf32>
    %get3A_9 = arith.constant 301056 : index
    %get3A_10 = vector.load %arg1[%get3A_9] : memref<3211264xf32, #tpu.memory_space<vmem>>, vector<100000xf32>
    %add3A_11 = arith.addf %add3A_8, %get3A_10 : vector<100000xf32>
    %get3A_12 = arith.constant 401408 : index
    %get3A_13 = vector.load %arg1[%get3A_12] : memref<3211264xf32, #tpu.memory_space<vmem>>, vector<100000xf32>
    %add3A_14 = arith.addf %add3A_11, %get3A_13 : vector<100000xf32>
    %get3A_15 = arith.constant 501760 : index
    %get3A_16 = vector.load %arg1[%get3A_15] : memref<3211264xf32, #tpu.memory_space<vmem>>, vector<100000xf32>
    %add3A_17 = arith.addf %add3A_14, %get3A_16 : vector<100000xf32>
    %get3A_18 = arith.constant 602112 : index
    %get3A_19 = vector.load %arg1[%get3A_18] : memref<3211264xf32, #tpu.memory_space<vmem>>, vector<100000xf32>
    %add3A_20 = arith.addf %add3A_17, %get3A_19 : vector<100000xf32>
    %get3A_21 = arith.constant 702464 : index
    %get3A_22 = vector.load %arg1[%get3A_21] : memref<3211264xf32, #tpu.memory_space<vmem>>, vector<100000xf32>
    %add3A_23 = arith.addf %add3A_20, %get3A_22 : vector<100000xf32>
    %get3A_24 = arith.constant 802816 : index
    %get3A_25 = vector.load %arg1[%get3A_24] : memref<3211264xf32, #tpu.memory_space<vmem>>, vector<100000xf32>
    %add3A_26 = arith.addf %add3A_23, %get3A_25 : vector<100000xf32>
    %get3A_27 = arith.constant 903168 : index
    %get3A_28 = vector.load %arg1[%get3A_27] : memref<3211264xf32, #tpu.memory_space<vmem>>, vector<100000xf32>
    %add3A_29 = arith.addf %add3A_26, %get3A_28 : vector<100000xf32>
    %get3A_30 = arith.constant 1003520 : index
    %get3A_31 = vector.load %arg1[%get3A_30] : memref<3211264xf32, #tpu.memory_space<vmem>>, vector<100000xf32>
    %add3A_32 = arith.addf %add3A_29, %get3A_31 : vector<100000xf32>
    %get3A_33 = arith.constant 1103872 : index
    %get3A_34 = vector.load %arg1[%get3A_33] : memref<3211264xf32, #tpu.memory_space<vmem>>, vector<100000xf32>
    %add3A_35 = arith.addf %add3A_32, %get3A_34 : vector<100000xf32>
    %get3A_36 = arith.constant 1204224 : index
    %get3A_37 = vector.load %arg1[%get3A_36] : memref<3211264xf32, #tpu.memory_space<vmem>>, vector<100000xf32>
    %add3A_38 = arith.addf %add3A_35, %get3A_37 : vector<100000xf32>
    %get3A_39 = arith.constant 1304576 : index
    %get3A_40 = vector.load %arg1[%get3A_39] : memref<3211264xf32, #tpu.memory_space<vmem>>, vector<100000xf32>
    %add3A_41 = arith.addf %add3A_38, %get3A_40 : vector<100000xf32>
    %get3A_42 = arith.constant 1404928 : index
    %get3A_43 = vector.load %arg1[%get3A_42] : memref<3211264xf32, #tpu.memory_space<vmem>>, vector<100000xf32>
    %add3A_44 = arith.addf %add3A_41, %get3A_43 : vector<100000xf32>
    %get3A_45 = arith.constant 1505280 : index
    %get3A_46 = vector.load %arg1[%get3A_45] : memref<3211264xf32, #tpu.memory_space<vmem>>, vector<100000xf32>
    %add3A_47 = arith.addf %add3A_44, %get3A_46 : vector<100000xf32>
    %get3A_48 = arith.constant 1605632 : index
    %get3A_49 = vector.load %arg1[%get3A_48] : memref<3211264xf32, #tpu.memory_space<vmem>>, vector<100000xf32>
    %add3A_50 = arith.addf %add3A_47, %get3A_49 : vector<100000xf32>
    %get3A_51 = arith.constant 1705984 : index
    %get3A_52 = vector.load %arg1[%get3A_51] : memref<3211264xf32, #tpu.memory_space<vmem>>, vector<100000xf32>
    %add3A_53 = arith.addf %add3A_50, %get3A_52 : vector<100000xf32>
    %get3A_54 = arith.constant 1806336 : index
    %get3A_55 = vector.load %arg1[%get3A_54] : memref<3211264xf32, #tpu.memory_space<vmem>>, vector<100000xf32>
    %add3A_56 = arith.addf %add3A_53, %get3A_55 : vector<100000xf32>
    %get3A_57 = arith.constant 1906688 : index
    %get3A_58 = vector.load %arg1[%get3A_57] : memref<3211264xf32, #tpu.memory_space<vmem>>, vector<100000xf32>
    %add3A_59 = arith.addf %add3A_56, %get3A_58 : vector<100000xf32>
    %get3A_60 = arith.constant 2007040 : index
    %get3A_61 = vector.load %arg1[%get3A_60] : memref<3211264xf32, #tpu.memory_space<vmem>>, vector<100000xf32>
    %add3A_62 = arith.addf %add3A_59, %get3A_61 : vector<100000xf32>
    %get3A_63 = arith.constant 2107392 : index
    %get3A_64 = vector.load %arg1[%get3A_63] : memref<3211264xf32, #tpu.memory_space<vmem>>, vector<100000xf32>
    %add3A_65 = arith.addf %add3A_62, %get3A_64 : vector<100000xf32>
    %get3A_66 = arith.constant 2207744 : index
    %get3A_67 = vector.load %arg1[%get3A_66] : memref<3211264xf32, #tpu.memory_space<vmem>>, vector<100000xf32>
    %add3A_68 = arith.addf %add3A_65, %get3A_67 : vector<100000xf32>
    %get3A_69 = arith.constant 2308096 : index
    %get3A_70 = vector.load %arg1[%get3A_69] : memref<3211264xf32, #tpu.memory_space<vmem>>, vector<100000xf32>
    %add3A_71 = arith.addf %add3A_68, %get3A_70 : vector<100000xf32>
    %get3A_72 = arith.constant 2408448 : index
    %get3A_73 = vector.load %arg1[%get3A_72] : memref<3211264xf32, #tpu.memory_space<vmem>>, vector<100000xf32>
    %add3A_74 = arith.addf %add3A_71, %get3A_73 : vector<100000xf32>
    %get3A_75 = arith.constant 2508800 : index
    %get3A_76 = vector.load %arg1[%get3A_75] : memref<3211264xf32, #tpu.memory_space<vmem>>, vector<100000xf32>
    %add3A_77 = arith.addf %add3A_74, %get3A_76 : vector<100000xf32>
    %get3A_78 = arith.constant 2609152 : index
    %get3A_79 = vector.load %arg1[%get3A_78] : memref<3211264xf32, #tpu.memory_space<vmem>>, vector<100000xf32>
    %add3A_80 = arith.addf %add3A_77, %get3A_79 : vector<100000xf32>
    %get3A_81 = arith.constant 2709504 : index
    %get3A_82 = vector.load %arg1[%get3A_81] : memref<3211264xf32, #tpu.memory_space<vmem>>, vector<100000xf32>
    %add3A_83 = arith.addf %add3A_80, %get3A_82 : vector<100000xf32>
    %get3A_84 = arith.constant 2809856 : index
    %get3A_85 = vector.load %arg1[%get3A_84] : memref<3211264xf32, #tpu.memory_space<vmem>>, vector<100000xf32>
    %add3A_86 = arith.addf %add3A_83, %get3A_85 : vector<100000xf32>
    %get3A_87 = arith.constant 2910208 : index
    %get3A_88 = vector.load %arg1[%get3A_87] : memref<3211264xf32, #tpu.memory_space<vmem>>, vector<100000xf32>
    %add3A_89 = arith.addf %add3A_86, %get3A_88 : vector<100000xf32>
    %get3A_90 = arith.constant 3010560 : index
    %get3A_91 = vector.load %arg1[%get3A_90] : memref<3211264xf32, #tpu.memory_space<vmem>>, vector<100000xf32>
    %add3A_92 = arith.addf %add3A_89, %get3A_91 : vector<100000xf32>
    %get3A_93 = arith.constant 3110912 : index
    %get3A_94 = vector.load %arg1[%get3A_93] : memref<3211264xf32, #tpu.memory_space<vmem>>, vector<100000xf32>
    %add3A_95 = arith.addf %add3A_92, %get3A_94 : vector<100000xf32>
    %swap3A = arith.constant 0 : index
    %swap3A_96 = vector.load %arg2[%swap3A] : memref<100000xf32, #tpu.memory_space<vmem>>, vector<100000xf32>
    tpu.vector_store %arg2[%swap3A], %add3A_95 {strides = array<i32>} : memref<100000xf32, #tpu.memory_space<vmem>>, vector<100000xf32>,
    return
  }
}

</mosaic_0001>

<sc_bundles>
// kernel: _impl.4.cloned.1.call-start
scs
__scs_entry_jumppad:
0x0: {  	(pc) =	sbr.rel $0x88, $3  }
0x1: {  	(tag) =	ssettag $0x0;
	lr =	simm.s32 $0x1  }
0x2: {  	[smem:$0x3F9C] =	sst lr;
	_ =	strace $0xD0000000  }
0x3: {  	_ = 	snop  }
0x4: {  	_ = 	snop  }
0x5: {  	_ = 	snop  }
0x6: {  	_ = 	snop  }
0x7: {  	_ = 	snop  }
__scs_overlays_trampoline_lowered:
0x8: {  	[smem:$0x3FAB] =	sst s0  }
0x9: {  	[smem:$0x3FAC] =	sst s1  }
0xa: {  	[smem:$0x3FAD] =	sst s2  }
0xb: {  	[smem:$0x3FAE] =	sst s3  }
0xc: {  	[smem:$0x3FAF] =	sst s4  }
0xd: {  	[smem:$0x3FB0] =	sst s5  }
0xe: {  	[smem:$0x3FB1] =	sst s6  }
0xf: {  	[smem:$0x3FB2] =	sst s7  }
0x10: {  	[smem:$0x3FB3] =	sst s8  }
0x11: {  	[smem:$0x3FB4] =	sst s9;
	s0 =	simm.s32 @!p0 $0x0  }
0x12: {  	s1 =	sld [smem:$0x3F9A];
	s0 =	simm.s32 @p0 $0x1  }
0x13: {  	[smem:$0x3FB5] =	sst s0;
	s0 =	simm.s32 @!p1 $0x0  }
0x14: {  	s2 =	sld [smem:$0x3F99];
	s0 =	simm.s32 @p1 $0x1  }
0x15: {  	[smem:$0x3FB6] =	sst s0;
	s0 =	simm.s32 @!p2 $0x0  }
0x16: {  	s3 =	sld [smem:$0x3FDB];
	s0 =	simm.s32 @p2 $0x1  }
0x17: {  	s4 =	simm.s32 $0x1BF5;
	[smem:$0x3FB8] =	sst s0  }
0x18: {  	s0 =	sld [smem:$0x3F9B];
	_ =	swait.ge [sflag:s4], $0x0  }
0x19: {  	s7 =	sld [smem:$0x3F9C]  }
0x1a: {  	s8 =	sadd.s32 $0xFFFFE003, lr  }
0x1b: {  	s9 =	sadd.s32 $0xFFFFFEF7, lr;
	s5 =	simm.s32 $0xFFFFFFFF;
	p2 =	slt.u32 s8, $0xFFFFF086  }
0x1c: {  	p1 =	slt.u32 s9, $0xF7A;
	s5 =	simm.s32 @!p2 $0x0  }
0x1d: {  	s5 =	simm.s32 @p1 $0x1;
	p0 =	seq.s32 s7, s2  }
0x1e: {  	s7 =	smul.u32 @!p0 $0xF7A, s2;
	p2 =	seq.s32 @!p0 s5, $0x0  }
0x1f: {  	s9 =	smul.u32 $0xF7A, s1;
	s8 =	simm.s32 @!p0 $0x1BF5;
	p2 =	por !p2, p0  }
0x20: {  	[sflag:s8] =	ssyncset.s32 @!p0 $0xFFFFF086;
	s6 =	sadd.s32 @!p0 s3, s7;
	s7 =	simm.s32 @!p0 $0x108  }
0x21: {  	s3 =	sadd.s32 s3, s9;
	s6 =	sadd.s32 @!p0 $0x88, s6;
	s7 =	simm.s32 @p2 $0x1082  }
0x22: {  	[simem:s7], [sflag:s8] =	dma.local @!p0 [hbm:s6], $0xF7A  }
0x23: {  	s9 =	sor.u32 $0xD0000000, s2;
	s6 =	simm.s32 $0x108;
	_ =	swait.ge @!p0 [sflag:s8], $0x0  }
0x24: {  	s3 =	sadd.s32 $0x88, s3;
	s6 =	simm.s32 @!p1 $0x1082;
	[sflag:s4] =	ssyncset.s32 $0xFFFFF086  }
0x25: {  	[simem:s6], [sflag:s4] =	dma.local [hbm:s3], $0xF7A  }
0x26: {  	[smem:$0x3F9C] =	sst s1;
	(tag) =	ssettag s2;
	_ =	strace s9  }
0x27: {  	s1 =	sld [smem:$0x3FAC]  }
0x28: {  	s2 =	sld [smem:$0x3FAD]  }
0x29: {  	s4 =	sld [smem:$0x3FAF]  }
0x2a: {  	p0 =	seq.s32 s5, $0x0;
	s5 =	sld [smem:$0x3FB0]  }
0x2b: {  	s6 =	sld [smem:$0x3FB1]  }
0x2c: {  	s7 =	sld [smem:$0x3FB2]  }
0x2d: {  	s3 =	simm.s32 $0x108;
	s8 =	sld [smem:$0x3FB3]  }
0x2e: {  	s3 =	simm.s32 @!p0 $0x1082;
	s9 =	sld [smem:$0x3FB4]  }
0x2f: {  	lr =	sadd.s32 s0, s3;
	s0 =	sld [smem:$0x3FAB]  }
0x30: {  	s3 =	sld [smem:$0x3FAE]  }
0x31: {  	[smem:$0x3FB7] =	sst s10  }
0x32: {  	s10 =	sld [smem:$0x3FB5];
	_ =	sdelay $0x3  }
0x33: {  	p0 =	seq.s32 s10, $0x1;
	s10 =	sld [smem:$0x3FB7];
	_ =	sdelay $0x3  }
0x34: {  	[smem:$0x3FB7] =	sst s10  }
0x35: {  	s10 =	sld [smem:$0x3FB6];
	_ =	sdelay $0x3  }
0x36: {  	p1 =	seq.s32 s10, $0x1;
	s10 =	sld [smem:$0x3FB7];
	_ =	sdelay $0x3  }
0x37: {  	[smem:$0x3FB7] =	sst s10  }
0x38: {  	s10 =	sld [smem:$0x3FB8]  }
0x39: {  	_ = 	snop;
	(pc) =	sbr.ind lr, $3  }
0x3a: {  	_ = 	snop  }
0x3b: {  	_ = 	snop  }
0x3c: {  	p2 =	seq.s32 s10, $0x1;
	s10 =	sld [smem:$0x3FB7]  }
0x3d: {  	_ =	shalt  }
0x3e: {  	_ =	shalt  }
0x3f: {  	_ =	shalt  }
0x40: {  	_ =	shalt  }
0x41: {  	_ =	shalt  }
0x42: {  	_ =	shalt  }
0x43: {  	_ =	shalt  }
0x44: {  	_ =	shalt  }
0x45: {  	_ =	shalt  }
0x46: {  	_ =	shalt  }
0x47: {  	_ =	shalt  }
0x48: {  	_ =	shalt  }
0x49: {  	_ =	shalt  }
0x4a: {  	_ =	shalt  }
0x4b: {  	_ =	shalt  }
0x4c: {  	_ =	shalt  }
0x4d: {  	_ =	shalt  }
0x4e: {  	_ =	shalt  }
0x4f: {  	_ =	shalt  }
0x50: {  	_ =	shalt  }
0x51: {  	_ =	shalt  }
0x52: {  	_ =	shalt  }
0x53: {  	_ =	shalt  }
0x54: {  	_ =	shalt  }
0x55: {  	_ =	shalt  }
0x56: {  	_ =	shalt  }
0x57: {  	_ =	shalt  }
0x58: {  	_ =	shalt  }
0x59: {  	_ =	shalt  }
0x5a: {  	_ =	shalt  }
0x5b: {  	_ =	shalt  }
0x5c: {  	_ =	shalt  }
0x5d: {  	_ =	shalt  }
0x5e: {  	_ =	shalt  }
0x5f: {  	_ =	shalt  }
0x60: {  	_ =	shalt  }
0x61: {  	_ =	shalt  }
0x62: {  	_ =	shalt  }
0x63: {  	_ =	shalt  }
0x64: {  	_ =	shalt  }
0x65: {  	_ =	shalt  }
0x66: {  	_ =	shalt  }
0x67: {  	_ =	shalt  }
0x68: {  	_ =	shalt  }
0x69: {  	_ =	shalt  }
0x6a: {  	_ =	shalt  }
0x6b: {  	_ =	shalt  }
0x6c: {  	_ =	shalt  }
0x6d: {  	_ =	shalt  }
0x6e: {  	_ =	shalt  }
0x6f: {  	_ =	shalt  }
0x70: {  	_ =	shalt  }
0x71: {  	_ =	shalt  }
0x72: {  	_ =	shalt  }
0x73: {  	_ =	shalt  }
0x74: {  	_ =	shalt  }
0x75: {  	_ =	shalt  }
0x76: {  	_ =	shalt  }
0x77: {  	_ =	shalt  }
0x78: {  	_ =	shalt  }
0x79: {  	_ =	shalt  }
0x7a: {  	_ =	shalt  }
0x7b: {  	_ =	shalt  }
0x7c: {  	_ =	shalt  }
0x7d: {  	_ =	shalt  }
0x7e: {  	_ =	shalt  }
0x7f: {  	_ =	shalt  }
0x80: {  	_ =	shalt  }
0x81: {  	_ =	shalt  }
0x82: {  	_ =	shalt  }
0x83: {  	_ =	shalt  }
0x84: {  	_ =	shalt  }
0x85: {  	_ =	shalt  }
0x86: {  	_ =	shalt  }
0x87: {  	_ =	shalt  }
.Lfunc_end0:
.L_simem_size_0:
called_computation_lowered:
.L_overlay_start_0:
0x88: {  	s2 =	sld [smem:$0x3FD9]  }
0x89: {  	s3 =	sld [smem:$0x3FFE];
	_ =	sdelay $0x1  }
0x8a: {  	s1 =	srdreg.scid  }
0x8b: {  	s0 =	sand.u32 $0x1, s1  }
0x8c: {  	s17 =	sshll.u32 s0, $0xA;
	s2 =	sadd.s32 s3, s2  }
0x8d: {  	s2 =	sadd.s32 s2, s17  }
0x8e: {  	[smem:$0x3FC3] =	sst s2  }
0x8f: {  	_ = 	snop  }
0x90: {  	s2 =	sld [smem:$0x3FC9]  }
0x91: {  	s18 =	sld [smem:$0x3FC8]  }
0x92: {  	s4 =	sld [smem:$0x3FD0];
	(tm) =	ssettm $0x1  }
0x93: {  	s5 =	sld [smem:$0x3FFB];
	_ =	sdelay $0x3  }
0x94: {  	_ =	strace s5  }
0x95: {  	s5 =	sld [smem:$0x3FFC];
	_ =	sdelay $0x3  }
0x96: {  	_ =	strace s5  }
0x97: {  	s5 =	sld [smem:$0x3FFD];
	_ =	sdelay $0x3  }
0x98: {  	_ =	strace s5  }
0x99: {  	_ =	strace $0x8FFFFFFF  }
0x9a: {  	s19 =	sld [smem:$0x3FDB];
	_ =	sdelay $0x1  }
0x9b: {  	s6 =	simm.s32 $_scs_section_size  }
0x9c: {  	s7 =	simm.s32 $_size__tile_overlayer_lowered;
	s8 =	simm.s32 $_tile_overlayer_lowered  }
0x9d: {  	s22 =	simm.s32 $0x1BFF;
	s21 =	sshll.u32 s8, $0x1;
	s5 =	sadd.s32 s6, s19  }
0x9e: {  	s9 =	simm.s32 $0x0;
	s20 =	sshll.u32 s7, $0x1;
	s7 =	sadd.s32 s21, s5  }
0x9f: {  	[timem:s9], [sflag:s22] =	dma.local [hbm:s7], s20  }
0xa0: {  	_ =	swait.ge [sflag:s22], s20  }
0xa1: {  	s6 =	ssub.s32 $0x0, s20;
	[sflag:s22] =	ssyncset.done $0x0  }
0xa2: {  	[sflag:s22] =	ssyncadd.s32 s6;
	_ =	sdelay $0x1  }
0xa3: {  	s23 =	simm.s32 $0x1B8B  }
0xa4: {  	_ =	swait.ge [sflag:s23], $0x1  }
0xa5: {  	[sflag:s23] =	ssyncset.done $0x0  }
0xa6: {  	s25 =	simm.s32 $0x1B8E;
	s24 =	sld [smem:$0x3FFE];
	[sflag:s23] =	ssyncadd.s32 $0xFFFFFFFF  }
0xa7: {  	s26 =	simm.s32 $execute0_lowered;
	[smem:$0x3FD2] =	sst s25  }
0xa8: {  	s7 =	sshll.u32 s26, $0x1;
	_ =	strace $0x80000046;
	[dreg:$0x1] =	wrdreg $0xFFFFFFFF  }
0xa9: {  	s28 =	simm.s32 $_size_execute0_lowered;
	s5 =	sadd.s32 s5, s7;
	[dreg:$0x0] =	wrdreg $0x0  }
0xaa: {  	s7 =	sshll.u32 s28, $0x1;
	[dreg:$0x2] =	wrdreg s5  }
0xab: {  	[dreg:$0x3] =	wrdreg s7  }
0xac: {  	[dreg:$0x4] =	wrdreg $0xC0  }
0xad: {  	_ =	task [dreg:s9], $0x5FFFF  }
0xae: {  	[dreg:$0x1] =	wrdreg $0xFFFFFFFF  }
0xaf: {  	[dreg:$0x0] =	wrdreg $0x60  }
0xb0: {  	[dreg:$0x2] =	wrdreg s2  }
0xb1: {  	[dreg:$0x3] =	wrdreg s18  }
0xb2: {  	[dreg:$0x4] =	wrdreg s4  }
0xb3: {  	[dreg:$0x5] =	wrdreg s24  }
0xb4: {  	[dreg:$0x6] =	wrdreg $0x9  }
0xb5: {  	_ =	task.clear_ibuf [dreg:s9], $0x7FFFF;
	_ =	strace $0x90000046  }
0xb6: {  	s29 =	simm.s32 $0x9;
	_ =	strace $0x80000048  }
0xb7: {  	_ =	swait.ge [sflag:s29], $0x1  }
0xb8: {  	[sflag:s29] =	ssyncadd.s32 $0xFFFFFFFF  }
0xb9: {  	_ =	strace $0x90000048  }
0xba: {  	_ =	sfence  }
0xbb: {  	s30 =	sld [smem:$0x0];
	_ =	sdelay $0x2  }
0xbc: {  	s31 =	sshll.u32 s1, $0xD;
	s1 =	sshrl.u32 s1, $0x2  }
0xbd: {  	s3 =	sand.u32 $0x4000, s31;
	s1 =	sadd.s32 s1, s30  }
0xbe: {  	s0 =	sor.u32 s3, s0;
	s1 =	sshll.u32 s1, $0x11  }
0xbf: {  	s0 =	sor.u32 s1, s0  }
0xc0: {  	s0 =	sadd.s32 $0x8F2B, s0  }
0xc1: {  	[sflag:s0] =	ssyncadd.remote.s32 $0x1  }
0xc2: {  	_ =	sfence.sel $0xFFFF  }
0xc3: {  	[dreg:$0x0] =	wrdreg $0xFFFFFFFF;
	(pc) =	sbr.abs _section_cstart, $3  }
0xc4: {  	[dreg:$0x1] =	wrdreg $0xFFFFFFFF  }
0xc5: {  	_ =	task.clear_ibuf [dreg:s9], $0x2FFFF;
	_ =	strace $0x9FFFFFFF  }
0xc6: {  	(tm) =	ssettm $0x7FFFFFFF  }
0xc7: {  	_ =	shalt  }
tec
execute0_lowered:
.L_overlay_start_1:
0x0: {  	(tag) =	ssettag $0x1  }
0x1: {  	s1 =	rddreg [dreg:$0x0]  }
0x2: {  	s2 =	rddreg [dreg:$0x1];
	s0 =	srdreg.scid  }
0x3: {  	s3 =	stileid.u32;
	s5 =	rddreg [dreg:$0x3];
	s6 =	simm.s32 $0x0  }
0x4: {  	s15 =	simm.s32 $0x18700;
	s16 =	simm.s32 $0x2;
	s17 =	simm.s32 $0x1B800  }
0x5: {  	s18 =	simm.s32 $0x1E600;
	s20 =	simm.s32 $0x1E700;
	s22 =	simm.s32 $0x1E800  }
0x6: {  	s23 =	simm.s32 $0x1;
	s24 =	simm.s32 $0x0;
	s0 =	sand.u32 $0x1, s0  }
0x7: {  	s3 =	sshll.u32 s3, $0x1;
	[smem:$0x7FF] =	sst s6;
	s9 =	sadd.s32 $0x10, s2  }
0x8: {  	s7 =	sor.u32 s0, s3;
	s0 =	ssub.s32 $0x2, s0;
	_ =	strace $0x80000047  }
0x9: {  	s3 =	smul.u32 $0x3100, s7;
	s4 =	sshrl.u32 s0, $0x1;
	s30 =	sshll.u32 s7, $0x8  }
.Ltmp0:
0xa: {  	s31 =	sshll.u32 s7, $0x9;
	s12 =	ssub.s32 $0xC35, s7;
	(pc) =	sbr.rel .LBB2_1-.Ltmp0, $4  }
0xb: {  	s0 =	ssub.s32 s0, s4;
	s8 =	sadd.s32 s1, s30;
	s10 =	sadd.s32 s2, s31  }
0xc: {  	s11 =	sadd.s32 s31, s9;
	s4 =	simm.s32 $0x1E400;
	s3 =	sadd.s32 s3, s5  }
0xd: {  	s14 =	smax.u32 s0, $0x1;
	s19 =	sadd.s32 $0x10, s8;
	s21 =	sadd.s32 $0x20, s8  }
0xe: {  	v0 =	vimm.f32 $0.0e+00;
	s0 =	simm.s32 $0x1E300;
	s5 =	simm.s32 $0x1E500;
	s13 =	sadd.s32 $0x200, s3  }
.LBB2_13:
0xf: {  	s24 =	sadd.s32 $0x1, s24  }
0x10: {  	p0 =	sne.s32 s24, s14  }
.Ltmp1:
0x11: {  	_ = 	snop;
	(pc) =	sbr.rel @!p0 .LBB2_14-.Ltmp1, $4  }
0x12: {  	[hbm4b:s13+s6] =	stream.linear.scatter [tilespmem:s6], [sflag:$0x2], $0x186A0, $0x38;
	[tilespmem:$0x1E900] =	vst v63  }
0x13: {  	_ =	swait.ge [sflag:s16], $0x186A0  }
0x14: {  	[sflag:s16] =	ssyncset.done $0x0  }
0x15: {  	[sflag:s16] =	ssyncadd.s32 $0xFFFE7960  }
.LBB2_1:
0x16: {  	s3 =	rddreg [dreg:$0x2]  }
0x17: {  	[tilespmem:s15], [sflag:$0x2] =	stream.linear.gather [hbm4b:s3+s6], $0x3100, $0x38;
	[tilespmem:$0x1E900] =	vst v63  }
0x18: {  	_ =	swait.ge [sflag:s16], $0x3100  }
0x19: {  	[sflag:s16] =	ssyncset.done $0x0  }
0x1a: {  	[sflag:s16] =	ssyncadd.s32 $0xFFFFCF00  }
0x1b: {  	s31 =	rddreg [dreg:$0x3]  }
0x1c: {  	[tilespmem:s17], [sflag:$0x2] =	stream.linear.gather [hbm4b:s31+s6], $0x100, $0x38;
	[tilespmem:$0x1E900] =	vst v63  }
0x1d: {  	_ =	swait.ge [sflag:s16], $0x100  }
0x1e: {  	[sflag:s16] =	ssyncset.done $0x0  }
0x1f: {  	s25 =	simm.s32 $0x20;
	[sflag:s16] =	ssyncadd.s32 $0xFFFFFF00  }
0x20: {  	[tilespmem:s25+$0xFFFFFFE0] =	vst v0  }
0x21: {  	[tilespmem:s25+$0x10] =	vst v0  }
0x22: {  	s26 =	simm.s32 $0x0;
	[tilespmem:s25+$0x0] =	vst v0  }
.LBB2_2:
0x23: {  	s26 =	sadd.s32 $0x4, s26  }
0x24: {  	[tilespmem:s25+$0xFFFFFFF0] =	vst v0;
	s25 =	sadd.s32 $0x40, s25;
	p0 =	slt.u32 s26, $0x1864  }
.Ltmp2:
0x25: {  	[tilespmem:s25+$0xFFFFFFE0] =	vst v0;
	(pc) =	sbr.rel @p0 .LBB2_2-.Ltmp2, $3  }
0x26: {  	_ =	sdelay $0x1  }
0x27: {  	[tilespmem:s25+$0x10] =	vst v0  }
0x28: {  	[tilespmem:s25+$0x0] =	vst v0  }
0x29: {  	[tilespmem:s25+$0xFFFFFFF0] =	vst v0;
	s25 =	simm.s32 $0x0  }
.LBB2_4:
0x2a: {  	p0 =	sne.s32 s25, $0x40  }
.Ltmp3:
0x2b: {  	_ = 	snop;
	(pc) =	sbr.rel @p0 .LBB2_4-.Ltmp3, $3  }
0x2c: {  	_ =	sdelay $0x1  }
0x2d: {  	s26 =	sshra.s32 s25, $0x2  }
0x2e: {  	s25 =	sadd.s32 $0x40, s25;
	[tilespmem:s26+$0x18680] =	vst v0  }
0x2f: {  	s25 =	simm.s32 $0x0;
	s3 =	simm.s32 $0x1B900  }
0x30: {  	[tilespmem:s3], [sflag:$0x1] =	stream.linear.gather [hbm4b:s8+s25], $0x80, $0x38;
	[tilespmem:$0x1E900] =	vst v63  }
0x31: {  	s29 =	simm.s32 $0x1BA00  }
0x32: {  	[tilespmem:s29], [sflag:$0x1] =	stream.linear.gather [hbm4b:s19+s25], $0x80, $0x38;
	[tilespmem:$0x1E900] =	vst v63  }
0x33: {  	s30 =	simm.s32 $0x1BB00  }
0x34: {  	[tilespmem:s30], [sflag:$0x1] =	stream.linear.gather [hbm4b:s21+s25], $0x80, $0x38;
	[tilespmem:$0x1E900] =	vst v63  }
0x35: {  	s26 =	sadd.s32 $0x30, s8;
	s31 =	simm.s32 $0x1BC00  }
0x36: {  	[tilespmem:s31], [sflag:$0x1] =	stream.linear.gather [hbm4b:s26+s25], $0x80, $0x38;
	[tilespmem:$0x1E900] =	vst v63  }
0x37: {  	s28 =	sadd.s32 $0x40, s8;
	s29 =	simm.s32 $0x1BD00  }
0x38: {  	[tilespmem:s29], [sflag:$0x1] =	stream.linear.gather [hbm4b:s28+s25], $0x80, $0x38;
	[tilespmem:$0x1E900] =	vst v63  }
0x39: {  	s30 =	sadd.s32 $0x50, s8;
	s31 =	simm.s32 $0x1BE00  }
0x3a: {  	[tilespmem:s31], [sflag:$0x1] =	stream.linear.gather [hbm4b:s30+s25], $0x80, $0x38;
	[tilespmem:$0x1E900] =	vst v63  }
0x3b: {  	s28 =	sadd.s32 $0x60, s8;
	s29 =	simm.s32 $0x1BF00  }
0x3c: {  	[tilespmem:s29], [sflag:$0x1] =	stream.linear.gather [hbm4b:s28+s25], $0x80, $0x38;
	[tilespmem:$0x1E900] =	vst v63  }
0x3d: {  	s30 =	sadd.s32 $0x70, s8;
	s31 =	simm.s32 $0x1C000  }
0x3e: {  	[tilespmem:s31], [sflag:$0x1] =	stream.linear.gather [hbm4b:s30+s25], $0x80, $0x38;
	[tilespmem:$0x1E900] =	vst v63  }
0x3f: {  	s28 =	sadd.s32 $0x80, s8;
	s29 =	simm.s32 $0x1C100  }
0x40: {  	[tilespmem:s29], [sflag:$0x1] =	stream.linear.gather [hbm4b:s28+s25], $0x80, $0x38;
	[tilespmem:$0x1E900] =	vst v63  }
0x41: {  	s30 =	sadd.s32 $0x90, s8;
	s31 =	simm.s32 $0x1C200  }
0x42: {  	[tilespmem:s31], [sflag:$0x1] =	stream.linear.gather [hbm4b:s30+s25], $0x80, $0x38;
	[tilespmem:$0x1E900] =	vst v63  }
0x43: {  	s28 =	sadd.s32 $0xA0, s8;
	s29 =	simm.s32 $0x1C300  }
0x44: {  	[tilespmem:s29], [sflag:$0x1] =	stream.linear.gather [hbm4b:s28+s25], $0x80, $0x38;
	[tilespmem:$0x1E900] =	vst v63  }
0x45: {  	s30 =	sadd.s32 $0xB0, s8;
	s31 =	simm.s32 $0x1C400  }
0x46: {  	[tilespmem:s31], [sflag:$0x1] =	stream.linear.gather [hbm4b:s30+s25], $0x80, $0x38;
	[tilespmem:$0x1E900] =	vst v63  }
0x47: {  	s28 =	sadd.s32 $0xC0, s8;
	s29 =	simm.s32 $0x1C500  }
0x48: {  	[tilespmem:s29], [sflag:$0x1] =	stream.linear.gather [hbm4b:s28+s25], $0x80, $0x38;
	[tilespmem:$0x1E900] =	vst v63  }
0x49: {  	s30 =	sadd.s32 $0xD0, s8;
	s31 =	simm.s32 $0x1C600  }
0x4a: {  	[tilespmem:s31], [sflag:$0x1] =	stream.linear.gather [hbm4b:s30+s25], $0x80, $0x38;
	[tilespmem:$0x1E900] =	vst v63  }
0x4b: {  	s28 =	sadd.s32 $0xE0, s8;
	s29 =	simm.s32 $0x1C700  }
0x4c: {  	[tilespmem:s29], [sflag:$0x1] =	stream.linear.gather [hbm4b:s28+s25], $0x80, $0x38;
	[tilespmem:$0x1E900] =	vst v63  }
0x4d: {  	s30 =	sadd.s32 $0xF0, s8;
	s31 =	simm.s32 $0x1C800  }
0x4e: {  	[tilespmem:s31], [sflag:$0x1] =	stream.linear.gather [hbm4b:s30+s25], $0x80, $0x38;
	[tilespmem:$0x1E900] =	vst v63  }
0x4f: {  	s26 =	simm.s32 $0x1C900  }
0x50: {  	[tilespmem:s26], [sflag:$0x1] =	stream.linear.gather [hbm4b:s10+s25], $0x80, $0x38;
	[tilespmem:$0x1E900] =	vst v63  }
0x51: {  	s28 =	sadd.s32 $0x20, s10;
	s29 =	simm.s32 $0x1CA00  }
0x52: {  	[tilespmem:s29], [sflag:$0x1] =	stream.linear.gather [hbm4b:s28+s25], $0x80, $0x38;
	[tilespmem:$0x1E900] =	vst v63  }
0x53: {  	s30 =	sadd.s32 $0x40, s10;
	s31 =	simm.s32 $0x1CB00  }
0x54: {  	[tilespmem:s31], [sflag:$0x1] =	stream.linear.gather [hbm4b:s30+s25], $0x80, $0x38;
	[tilespmem:$0x1E900] =	vst v63  }
0x55: {  	s28 =	sadd.s32 $0x60, s10;
	s29 =	simm.s32 $0x1CC00  }
0x56: {  	[tilespmem:s29], [sflag:$0x1] =	stream.linear.gather [hbm4b:s28+s25], $0x80, $0x38;
	[tilespmem:$0x1E900] =	vst v63  }
0x57: {  	s30 =	sadd.s32 $0x80, s10;
	s31 =	simm.s32 $0x1CD00  }
0x58: {  	[tilespmem:s31], [sflag:$0x1] =	stream.linear.gather [hbm4b:s30+s25], $0x80, $0x38;
	[tilespmem:$0x1E900] =	vst v63  }
0x59: {  	s28 =	sadd.s32 $0xA0, s10;
	s29 =	simm.s32 $0x1CE00  }
0x5a: {  	[tilespmem:s29], [sflag:$0x1] =	stream.linear.gather [hbm4b:s28+s25], $0x80, $0x38;
	[tilespmem:$0x1E900] =	vst v63  }
0x5b: {  	s30 =	sadd.s32 $0xC0, s10;
	s31 =	simm.s32 $0x1CF00  }
0x5c: {  	[tilespmem:s31], [sflag:$0x1] =	stream.linear.gather [hbm4b:s30+s25], $0x80, $0x38;
	[tilespmem:$0x1E900] =	vst v63  }
0x5d: {  	s28 =	sadd.s32 $0xE0, s10;
	s29 =	simm.s32 $0x1D000  }
0x5e: {  	[tilespmem:s29], [sflag:$0x1] =	stream.linear.gather [hbm4b:s28+s25], $0x80, $0x38;
	[tilespmem:$0x1E900] =	vst v63  }
0x5f: {  	s30 =	sadd.s32 $0x100, s10;
	s31 =	simm.s32 $0x1D100  }
0x60: {  	[tilespmem:s31], [sflag:$0x1] =	stream.linear.gather [hbm4b:s30+s25], $0x80, $0x38;
	[tilespmem:$0x1E900] =	vst v63  }
0x61: {  	s28 =	sadd.s32 $0x120, s10;
	s29 =	simm.s32 $0x1D200  }
0x62: {  	[tilespmem:s29], [sflag:$0x1] =	stream.linear.gather [hbm4b:s28+s25], $0x80, $0x38;
	[tilespmem:$0x1E900] =	vst v63  }
0x63: {  	s30 =	sadd.s32 $0x140, s10;
	s31 =	simm.s32 $0x1D300  }
0x64: {  	[tilespmem:s31], [sflag:$0x1] =	stream.linear.gather [hbm4b:s30+s25], $0x80, $0x38;
	[tilespmem:$0x1E900] =	vst v63  }
0x65: {  	s28 =	sadd.s32 $0x160, s10;
	s29 =	simm.s32 $0x1D400  }
0x66: {  	[tilespmem:s29], [sflag:$0x1] =	stream.linear.gather [hbm4b:s28+s25], $0x80, $0x38;
	[tilespmem:$0x1E900] =	vst v63  }
0x67: {  	s30 =	sadd.s32 $0x180, s10;
	s31 =	simm.s32 $0x1D500  }
0x68: {  	[tilespmem:s31], [sflag:$0x1] =	stream.linear.gather [hbm4b:s30+s25], $0x80, $0x38;
	[tilespmem:$0x1E900] =	vst v63  }
0x69: {  	s28 =	sadd.s32 $0x1A0, s10;
	s29 =	simm.s32 $0x1D600  }
0x6a: {  	[tilespmem:s29], [sflag:$0x1] =	stream.linear.gather [hbm4b:s28+s25], $0x80, $0x38;
	[tilespmem:$0x1E900] =	vst v63  }
0x6b: {  	s30 =	sadd.s32 $0x1C0, s10;
	s31 =	simm.s32 $0x1D700  }
0x6c: {  	[tilespmem:s31], [sflag:$0x1] =	stream.linear.gather [hbm4b:s30+s25], $0x80, $0x38;
	[tilespmem:$0x1E900] =	vst v63  }
0x6d: {  	s3 =	sadd.s32 $0x1E0, s10;
	s28 =	simm.s32 $0x1D800  }
0x6e: {  	[tilespmem:s28], [sflag:$0x1] =	stream.linear.gather [hbm4b:s3+s25], $0x80, $0x38;
	[tilespmem:$0x1E900] =	vst v63  }
0x6f: {  	s29 =	simm.s32 $0x1D900  }
0x70: {  	[tilespmem:s29], [sflag:$0x1] =	stream.linear.gather [hbm4b:s11+s25], $0x80, $0x38;
	[tilespmem:$0x1E900] =	vst v63  }
0x71: {  	s30 =	sadd.s32 $0x20, s11;
	s31 =	simm.s32 $0x1DA00  }
0x72: {  	[tilespmem:s31], [sflag:$0x1] =	stream.linear.gather [hbm4b:s30+s25], $0x80, $0x38;
	[tilespmem:$0x1E900] =	vst v63  }
0x73: {  	s28 =	sadd.s32 $0x40, s11;
	s29 =	simm.s32 $0x1DB00  }
0x74: {  	[tilespmem:s29], [sflag:$0x1] =	stream.linear.gather [hbm4b:s28+s25], $0x80, $0x38;
	[tilespmem:$0x1E900] =	vst v63  }
0x75: {  	s30 =	sadd.s32 $0x60, s11;
	s31 =	simm.s32 $0x1DC00  }
0x76: {  	[tilespmem:s31], [sflag:$0x1] =	stream.linear.gather [hbm4b:s30+s25], $0x80, $0x38;
	[tilespmem:$0x1E900] =	vst v63  }
0x77: {  	s28 =	sadd.s32 $0x80, s11;
	s29 =	simm.s32 $0x1DD00  }
0x78: {  	[tilespmem:s29], [sflag:$0x1] =	stream.linear.gather [hbm4b:s28+s25], $0x80, $0x38;
	[tilespmem:$0x1E900] =	vst v63  }
0x79: {  	s30 =	sadd.s32 $0xA0, s11;
	s31 =	simm.s32 $0x1DE00  }
0x7a: {  	[tilespmem:s31], [sflag:$0x1] =	stream.linear.gather [hbm4b:s30+s25], $0x80, $0x38;
	[tilespmem:$0x1E900] =	vst v63  }
0x7b: {  	s28 =	sadd.s32 $0xC0, s11;
	s29 =	simm.s32 $0x1DF00  }
0x7c: {  	[tilespmem:s29], [sflag:$0x1] =	stream.linear.gather [hbm4b:s28+s25], $0x80, $0x38;
	[tilespmem:$0x1E900] =	vst v63  }
0x7d: {  	s30 =	sadd.s32 $0xE0, s11;
	s31 =	simm.s32 $0x1E000  }
0x7e: {  	[tilespmem:s31], [sflag:$0x1] =	stream.linear.gather [hbm4b:s30+s25], $0x80, $0x38;
	[tilespmem:$0x1E900] =	vst v63  }
0x7f: {  	s3 =	sadd.s32 $0x100, s11;
	s28 =	simm.s32 $0x1E100  }
0x80: {  	[tilespmem:s28], [sflag:$0x1] =	stream.linear.gather [hbm4b:s3+s25], $0x80, $0x38;
	[tilespmem:$0x1E900] =	vst v63  }
0x81: {  	s29 =	sadd.s32 $0x120, s11;
	s30 =	simm.s32 $0x1E200  }
0x82: {  	[tilespmem:s30], [sflag:$0x1] =	stream.linear.gather [hbm4b:s29+s25], $0x80, $0x38;
	[tilespmem:$0x1E900] =	vst v63  }
0x83: {  	s31 =	sadd.s32 $0x140, s11  }
0x84: {  	[tilespmem:s0], [sflag:$0x1] =	stream.linear.gather [hbm4b:s31+s25], $0x80, $0x38;
	[tilespmem:$0x1E900] =	vst v63  }
0x85: {  	s3 =	sadd.s32 $0x160, s11  }
0x86: {  	[tilespmem:s4], [sflag:$0x1] =	stream.linear.gather [hbm4b:s3+s25], $0x80, $0x38;
	[tilespmem:$0x1E900] =	vst v63  }
0x87: {  	s28 =	sadd.s32 $0x180, s11  }
0x88: {  	[tilespmem:s5], [sflag:$0x1] =	stream.linear.gather [hbm4b:s28+s25], $0x80, $0x38;
	[tilespmem:$0x1E900] =	vst v63  }
0x89: {  	s29 =	sadd.s32 $0x1A0, s11  }
0x8a: {  	[tilespmem:s18], [sflag:$0x1] =	stream.linear.gather [hbm4b:s29+s25], $0x80, $0x38;
	[tilespmem:$0x1E900] =	vst v63  }
.Ltmp4:
0x8b: {  	_ = 	snop;
	(pc) =	sbr.rel .LBB2_6-.Ltmp4, $4  }
0x8c: {  	s30 =	sadd.s32 $0x1C0, s11  }
0x8d: {  	[tilespmem:s20], [sflag:$0x1] =	stream.linear.gather [hbm4b:s30+s25], $0x80, $0x38;
	[tilespmem:$0x1E900] =	vst v63  }
0x8e: {  	s31 =	sadd.s32 $0x1E0, s11  }
0x8f: {  	[tilespmem:s22], [sflag:$0x1] =	stream.linear.gather [hbm4b:s31+s25], $0x80, $0x38;
	[tilespmem:$0x1E900] =	vst v63  }
.LBB2_12:
0x90: {  	p0 =	sne.s32 s26, $0x62  }
.Ltmp5:
0x91: {  	_ = 	snop;
	(pc) =	sbr.rel @!p0 .LBB2_13-.Ltmp5, $2  }
0x92: {  	_ =	sdelay $0x2  }
0x93: {  	s25 =	smov.u32 s26  }
.LBB2_6:
0x94: {  	s26 =	sadd.s32 $0x1, s25  }
0x95: {  	s28 =	sshll.u32 s26, $0x5  }
0x96: {  	s29 =	sor.u32 s7, s28  }
0x97: {  	p0 =	sgt.u32 s29, $0xC34  }
.Ltmp6:
0x98: {  	_ = 	snop;
	(pc) =	sbr.rel @p0 .LBB2_8-.Ltmp6, $1  }
0x99: {  	_ =	sdelay $0x3  }
0x9a: {  	s28 =	sshll.u32 s26, $0x7  }
0x9b: {  	s30 =	sshll.u32 s29, $0x8;
	s28 =	sand.u32 $0x80, s28  }
0x9c: {  	s30 =	sadd.s32 s1, s30;
	s31 =	sor.u32 $0x1B900, s28  }
0x9d: {  	[tilespmem:s31], [sflag:$0x1] =	stream.linear.gather [hbm4b:s30+s6], $0x80, $0x38;
	[tilespmem:$0x1E900] =	vst v63  }
0x9e: {  	s3 =	sor.u32 $0x1BA00, s28;
	s31 =	sadd.s32 $0x10, s30  }
0x9f: {  	[tilespmem:s3], [sflag:$0x1] =	stream.linear.gather [hbm4b:s31+s6], $0x80, $0x38;
	[tilespmem:$0x1E900] =	vst v63  }
0xa0: {  	s3 =	sadd.s32 $0x20, s30;
	s31 =	sor.u32 $0x1BB00, s28  }
0xa1: {  	[tilespmem:s31], [sflag:$0x1] =	stream.linear.gather [hbm4b:s3+s6], $0x80, $0x38;
	[tilespmem:$0x1E900] =	vst v63  }
0xa2: {  	s3 =	sadd.s32 $0x30, s30;
	s31 =	sor.u32 $0x1BC00, s28  }
0xa3: {  	[tilespmem:s31], [sflag:$0x1] =	stream.linear.gather [hbm4b:s3+s6], $0x80, $0x38;
	[tilespmem:$0x1E900] =	vst v63  }
0xa4: {  	s3 =	sadd.s32 $0x40, s30;
	s31 =	sor.u32 $0x1BD00, s28  }
0xa5: {  	[tilespmem:s31], [sflag:$0x1] =	stream.linear.gather [hbm4b:s3+s6], $0x80, $0x38;
	[tilespmem:$0x1E900] =	vst v63  }
0xa6: {  	s3 =	sadd.s32 $0x50, s30;
	s31 =	sor.u32 $0x1BE00, s28  }
0xa7: {  	[tilespmem:s31], [sflag:$0x1] =	stream.linear.gather [hbm4b:s3+s6], $0x80, $0x38;
	[tilespmem:$0x1E900] =	vst v63  }
0xa8: {  	s3 =	sadd.s32 $0x60, s30;
	s31 =	sor.u32 $0x1BF00, s28  }
0xa9: {  	[tilespmem:s31], [sflag:$0x1] =	stream.linear.gather [hbm4b:s3+s6], $0x80, $0x38;
	[tilespmem:$0x1E900] =	vst v63  }
0xaa: {  	s3 =	sadd.s32 $0x70, s30;
	s31 =	sor.u32 $0x1C000, s28  }
0xab: {  	[tilespmem:s31], [sflag:$0x1] =	stream.linear.gather [hbm4b:s3+s6], $0x80, $0x38;
	[tilespmem:$0x1E900] =	vst v63  }
0xac: {  	s3 =	sadd.s32 $0x80, s30;
	s31 =	sor.u32 $0x1C100, s28  }
0xad: {  	[tilespmem:s31], [sflag:$0x1] =	stream.linear.gather [hbm4b:s3+s6], $0x80, $0x38;
	[tilespmem:$0x1E900] =	vst v63  }
0xae: {  	s3 =	sadd.s32 $0x90, s30;
	s31 =	sor.u32 $0x1C200, s28  }
0xaf: {  	[tilespmem:s31], [sflag:$0x1] =	stream.linear.gather [hbm4b:s3+s6], $0x80, $0x38;
	[tilespmem:$0x1E900] =	vst v63  }
0xb0: {  	s3 =	sadd.s32 $0xA0, s30;
	s31 =	sor.u32 $0x1C300, s28  }
0xb1: {  	[tilespmem:s31], [sflag:$0x1] =	stream.linear.gather [hbm4b:s3+s6], $0x80, $0x38;
	[tilespmem:$0x1E900] =	vst v63  }
0xb2: {  	s3 =	sadd.s32 $0xB0, s30;
	s31 =	sor.u32 $0x1C400, s28  }
0xb3: {  	[tilespmem:s31], [sflag:$0x1] =	stream.linear.gather [hbm4b:s3+s6], $0x80, $0x38;
	[tilespmem:$0x1E900] =	vst v63  }
0xb4: {  	s3 =	sadd.s32 $0xC0, s30;
	s31 =	sor.u32 $0x1C500, s28  }
0xb5: {  	[tilespmem:s31], [sflag:$0x1] =	stream.linear.gather [hbm4b:s3+s6], $0x80, $0x38;
	[tilespmem:$0x1E900] =	vst v63  }
0xb6: {  	s3 =	sadd.s32 $0xD0, s30;
	s31 =	sor.u32 $0x1C600, s28  }
0xb7: {  	[tilespmem:s31], [sflag:$0x1] =	stream.linear.gather [hbm4b:s3+s6], $0x80, $0x38;
	[tilespmem:$0x1E900] =	vst v63  }
0xb8: {  	s3 =	sadd.s32 $0xE0, s30;
	s31 =	sor.u32 $0x1C700, s28  }
0xb9: {  	[tilespmem:s31], [sflag:$0x1] =	stream.linear.gather [hbm4b:s3+s6], $0x80, $0x38;
	[tilespmem:$0x1E900] =	vst v63  }
0xba: {  	s3 =	sadd.s32 $0xF0, s30;
	s31 =	sor.u32 $0x1C800, s28  }
0xbb: {  	[tilespmem:s31], [sflag:$0x1] =	stream.linear.gather [hbm4b:s3+s6], $0x80, $0x38;
	[tilespmem:$0x1E900] =	vst v63  }
0xbc: {  	s3 =	sshll.u32 s29, $0x9  }
0xbd: {  	s31 =	sor.u32 $0x1C900, s28;
	s30 =	sadd.s32 s2, s3  }
0xbe: {  	[tilespmem:s31], [sflag:$0x1] =	stream.linear.gather [hbm4b:s30+s6], $0x80, $0x38;
	[tilespmem:$0x1E900] =	vst v63  }
0xbf: {  	s29 =	sadd.s32 $0x20, s30;
	s31 =	sor.u32 $0x1CA00, s28  }
0xc0: {  	[tilespmem:s31], [sflag:$0x1] =	stream.linear.gather [hbm4b:s29+s6], $0x80, $0x38;
	[tilespmem:$0x1E900] =	vst v63  }
0xc1: {  	s29 =	sadd.s32 $0x40, s30;
	s31 =	sor.u32 $0x1CB00, s28  }
0xc2: {  	[tilespmem:s31], [sflag:$0x1] =	stream.linear.gather [hbm4b:s29+s6], $0x80, $0x38;
	[tilespmem:$0x1E900] =	vst v63  }
0xc3: {  	s29 =	sadd.s32 $0x60, s30;
	s31 =	sor.u32 $0x1CC00, s28  }
0xc4: {  	[tilespmem:s31], [sflag:$0x1] =	stream.linear.gather [hbm4b:s29+s6], $0x80, $0x38;
	[tilespmem:$0x1E900] =	vst v63  }
0xc5: {  	s29 =	sadd.s32 $0x80, s30;
	s31 =	sor.u32 $0x1CD00, s28  }
0xc6: {  	[tilespmem:s31], [sflag:$0x1] =	stream.linear.gather [hbm4b:s29+s6], $0x80, $0x38;
	[tilespmem:$0x1E900] =	vst v63  }
0xc7: {  	s29 =	sadd.s32 $0xA0, s30;
	s31 =	sor.u32 $0x1CE00, s28  }
0xc8: {  	[tilespmem:s31], [sflag:$0x1] =	stream.linear.gather [hbm4b:s29+s6], $0x80, $0x38;
	[tilespmem:$0x1E900] =	vst v63  }
0xc9: {  	s29 =	sadd.s32 $0xC0, s30;
	s31 =	sor.u32 $0x1CF00, s28  }
0xca: {  	[tilespmem:s31], [sflag:$0x1] =	stream.linear.gather [hbm4b:s29+s6], $0x80, $0x38;
	[tilespmem:$0x1E900] =	vst v63  }
0xcb: {  	s29 =	sadd.s32 $0xE0, s30;
	s31 =	sor.u32 $0x1D000, s28  }
0xcc: {  	[tilespmem:s31], [sflag:$0x1] =	stream.linear.gather [hbm4b:s29+s6], $0x80, $0x38;
	[tilespmem:$0x1E900] =	vst v63  }
0xcd: {  	s29 =	sadd.s32 $0x100, s30;
	s31 =	sor.u32 $0x1D100, s28  }
0xce: {  	[tilespmem:s31], [sflag:$0x1] =	stream.linear.gather [hbm4b:s29+s6], $0x80, $0x38;
	[tilespmem:$0x1E900] =	vst v63  }
0xcf: {  	s29 =	sadd.s32 $0x120, s30;
	s31 =	sor.u32 $0x1D200, s28  }
0xd0: {  	[tilespmem:s31], [sflag:$0x1] =	stream.linear.gather [hbm4b:s29+s6], $0x80, $0x38;
	[tilespmem:$0x1E900] =	vst v63  }
0xd1: {  	s29 =	sadd.s32 $0x140, s30;
	s31 =	sor.u32 $0x1D300, s28  }
0xd2: {  	[tilespmem:s31], [sflag:$0x1] =	stream.linear.gather [hbm4b:s29+s6], $0x80, $0x38;
	[tilespmem:$0x1E900] =	vst v63  }
0xd3: {  	s29 =	sadd.s32 $0x160, s30;
	s31 =	sor.u32 $0x1D400, s28  }
0xd4: {  	[tilespmem:s31], [sflag:$0x1] =	stream.linear.gather [hbm4b:s29+s6], $0x80, $0x38;
	[tilespmem:$0x1E900] =	vst v63  }
0xd5: {  	s29 =	sadd.s32 $0x180, s30;
	s31 =	sor.u32 $0x1D500, s28  }
0xd6: {  	[tilespmem:s31], [sflag:$0x1] =	stream.linear.gather [hbm4b:s29+s6], $0x80, $0x38;
	[tilespmem:$0x1E900] =	vst v63  }
0xd7: {  	s29 =	sadd.s32 $0x1A0, s30;
	s31 =	sor.u32 $0x1D600, s28  }
0xd8: {  	[tilespmem:s31], [sflag:$0x1] =	stream.linear.gather [hbm4b:s29+s6], $0x80, $0x38;
	[tilespmem:$0x1E900] =	vst v63  }
0xd9: {  	s29 =	sadd.s32 $0x1C0, s30;
	s31 =	sor.u32 $0x1D700, s28  }
0xda: {  	[tilespmem:s31], [sflag:$0x1] =	stream.linear.gather [hbm4b:s29+s6], $0x80, $0x38;
	[tilespmem:$0x1E900] =	vst v63  }
0xdb: {  	s29 =	sadd.s32 $0x1E0, s30;
	s31 =	sor.u32 $0x1D800, s28  }
0xdc: {  	[tilespmem:s31], [sflag:$0x1] =	stream.linear.gather [hbm4b:s29+s6], $0x80, $0x38;
	[tilespmem:$0x1E900] =	vst v63  }
0xdd: {  	s3 =	sadd.s32 s3, s9;
	s30 =	sor.u32 $0x1D900, s28  }
0xde: {  	[tilespmem:s30], [sflag:$0x1] =	stream.linear.gather [hbm4b:s3+s6], $0x80, $0x38;
	[tilespmem:$0x1E900] =	vst v63  }
0xdf: {  	s29 =	sadd.s32 $0x20, s3;
	s31 =	sor.u32 $0x1DA00, s28  }
0xe0: {  	[tilespmem:s31], [sflag:$0x1] =	stream.linear.gather [hbm4b:s29+s6], $0x80, $0x38;
	[tilespmem:$0x1E900] =	vst v63  }
0xe1: {  	s29 =	sadd.s32 $0x40, s3;
	s31 =	sor.u32 $0x1DB00, s28  }
0xe2: {  	[tilespmem:s31], [sflag:$0x1] =	stream.linear.gather [hbm4b:s29+s6], $0x80, $0x38;
	[tilespmem:$0x1E900] =	vst v63  }
0xe3: {  	s29 =	sadd.s32 $0x60, s3;
	s31 =	sor.u32 $0x1DC00, s28  }
0xe4: {  	[tilespmem:s31], [sflag:$0x1] =	stream.linear.gather [hbm4b:s29+s6], $0x80, $0x38;
	[tilespmem:$0x1E900] =	vst v63  }
0xe5: {  	s29 =	sadd.s32 $0x80, s3;
	s31 =	sor.u32 $0x1DD00, s28  }
0xe6: {  	[tilespmem:s31], [sflag:$0x1] =	stream.linear.gather [hbm4b:s29+s6], $0x80, $0x38;
	[tilespmem:$0x1E900] =	vst v63  }
0xe7: {  	s29 =	sadd.s32 $0xA0, s3;
	s31 =	sor.u32 $0x1DE00, s28  }
0xe8: {  	[tilespmem:s31], [sflag:$0x1] =	stream.linear.gather [hbm4b:s29+s6], $0x80, $0x38;
	[tilespmem:$0x1E900] =	vst v63  }
0xe9: {  	s29 =	sadd.s32 $0xC0, s3;
	s31 =	sor.u32 $0x1DF00, s28  }
0xea: {  	[tilespmem:s31], [sflag:$0x1] =	stream.linear.gather [hbm4b:s29+s6], $0x80, $0x38;
	[tilespmem:$0x1E900] =	vst v63  }
0xeb: {  	s29 =	sadd.s32 $0xE0, s3;
	s31 =	sor.u32 $0x1E000, s28  }
0xec: {  	[tilespmem:s31], [sflag:$0x1] =	stream.linear.gather [hbm4b:s29+s6], $0x80, $0x38;
	[tilespmem:$0x1E900] =	vst v63  }
0xed: {  	s29 =	sadd.s32 $0x100, s3;
	s31 =	sor.u32 $0x1E100, s28  }
0xee: {  	[tilespmem:s31], [sflag:$0x1] =	stream.linear.gather [hbm4b:s29+s6], $0x80, $0x38;
	[tilespmem:$0x1E900] =	vst v63  }
0xef: {  	s29 =	sadd.s32 $0x120, s3;
	s31 =	sor.u32 $0x1E200, s28  }
0xf0: {  	[tilespmem:s31], [sflag:$0x1] =	stream.linear.gather [hbm4b:s29+s6], $0x80, $0x38;
	[tilespmem:$0x1E900] =	vst v63  }
0xf1: {  	s29 =	sadd.s32 $0x140, s3;
	s31 =	sor.u32 $0x1E300, s28  }
0xf2: {  	[tilespmem:s31], [sflag:$0x1] =	stream.linear.gather [hbm4b:s29+s6], $0x80, $0x38;
	[tilespmem:$0x1E900] =	vst v63  }
0xf3: {  	s29 =	sadd.s32 $0x160, s3;
	s31 =	sor.u32 $0x1E400, s28  }
0xf4: {  	[tilespmem:s31], [sflag:$0x1] =	stream.linear.gather [hbm4b:s29+s6], $0x80, $0x38;
	[tilespmem:$0x1E900] =	vst v63  }
0xf5: {  	s29 =	sadd.s32 $0x180, s3;
	s31 =	sor.u32 $0x1E500, s28  }
0xf6: {  	[tilespmem:s31], [sflag:$0x1] =	stream.linear.gather [hbm4b:s29+s6], $0x80, $0x38;
	[tilespmem:$0x1E900] =	vst v63  }
0xf7: {  	s29 =	sadd.s32 $0x1A0, s3;
	s31 =	sor.u32 $0x1E600, s28  }
0xf8: {  	[tilespmem:s31], [sflag:$0x1] =	stream.linear.gather [hbm4b:s29+s6], $0x80, $0x38;
	[tilespmem:$0x1E900] =	vst v63  }
0xf9: {  	s29 =	sadd.s32 $0x1C0, s3;
	s31 =	sor.u32 $0x1E700, s28  }
0xfa: {  	[tilespmem:s31], [sflag:$0x1] =	stream.linear.gather [hbm4b:s29+s6], $0x80, $0x38;
	[tilespmem:$0x1E900] =	vst v63  }
0xfb: {  	s3 =	sadd.s32 $0x1E0, s3;
	s28 =	sor.u32 $0x1E800, s28  }
0xfc: {  	[tilespmem:s28], [sflag:$0x1] =	stream.linear.gather [hbm4b:s3+s6], $0x80, $0x38;
	[tilespmem:$0x1E900] =	vst v63  }
.LBB2_8:
0xfd: {  	s3 =	sshll.u32 s25, $0x5  }
0xfe: {  	p0 =	sge.u32 s3, s12  }
.Ltmp7:
0xff: {  	_ = 	snop;
	(pc) =	sbr.rel @p0 .LBB2_12-.Ltmp7, $1  }
0x100: {  	_ =	sdelay $0x3  }
0x101: {  	_ =	swait.ge [sflag:s23], $0x800  }
0x102: {  	[sflag:s23] =	ssyncset.done $0x0  }
0x103: {  	[sflag:s23] =	ssyncadd.s32 $0xFFFFF800  }
0x104: {  	_ =	swait.ge [sflag:s23], $0x800  }
0x105: {  	[sflag:s23] =	ssyncset.done $0x0  }
0x106: {  	s3 =	sshll.u32 s25, $0x7;
	s28 =	simm.s32 $0x0;
	[sflag:s23] =	ssyncadd.s32 $0xFFFFF800  }
0x107: {  	s25 =	sand.u32 $0x80, s3;
	s31 =	sand.u32 $0xF00, s28;
	_ =	swait.ge [sflag:s23], $0x800  }
0x108: {  	s28 =	sand.u32 $0x70, s28;
	s3 =	sor.u32 s25, s31;
	[sflag:s23] =	ssyncset.done $0x0  }
0x109: {  	s3 =	sor.u32 s28, s3;
	[sflag:s23] =	ssyncadd.s32 $0xFFFFF800  }
0x10a: {  	v1 =	vld [tilespmem:s3+$0x1C900]  }
0x10b: {  	v3 =	vld [tilespmem:s3+$0x1D900];
	_ =	sdelay $0x2  }
0x10c: {  	s28 =	simm.s32 $0x20  }
0x10d: {  	s29 =	simm.s32 $0x10;
	s31 =	sand.u32 $0xF00, s28;
	v5 =	vld [tilespmem:s3+$0x1B900];
	v4 =	vshrl.u32 v1, $0x3  }
0x10e: {  	s28 =	sand.u32 $0x70, s29;
	s3 =	sor.u32 s25, s31;
	v6 =	vshrl.u32 v3, $0x3  }
0x10f: {  	s3 =	sor.u32 s28, s3  }
0x110: {  	v7 =	vld [tilespmem:s3+$0x1D900]  }
0x111: {  	v2 =	vld [tilespmem:s3+$0x1C900]  }
0x112: {  	(erf) = vrcp.f32 v5;
	v4 =	vld.idx.msk [tilespmem:v4+s15+$0x0], $0xffff  }
0x113: {  	v6 =	vld.idx.msk [tilespmem:v6+s15+$0x0], $0xffff;
	_ =	sdelay $0x1  }
0x114: {  	v8 =	vshll.u32 v1, $0x2;
	v10 =	vmul.f32 $2.000000030e-01, v5;
	v3 =	vshll.u32 v3, $0x2  }
0x115: {  	v9 =	vld [tilespmem:s3+$0x1B900];
	v5 =	vand.u32 $0x1C, v8;
	v3 =	vand.u32 $0x1C, v3;
	v8 =	vshrl.u32 v2, $0x3  }
0x116: {  	v11 =	vshrl.u32 v7, $0x3;
	v12 =	vmul.f32 $-2.100000000e+01, v10;
	v4 =	vshrl.u32 v4, v5  }
0x117: {  	v14 =	vmul.f32 v10, v10;
	v3 =	vshrl.u32 v6, v3;
	v4 =	vshll.u32 v4, $0x4  }
0x118: {  	s28 =	simm.s32 $0x40;
	v12 =	vadd.f32 $4.800000000e+01, v12;
	v3 =	vand.u32 $0xF, v3;
	v4 =	vand.u32 $0xF0, v4  }
0x119: {  	s29 =	simm.s32 $0x20;
	s31 =	sand.u32 $0xF00, s28;
	v15 =	vmul.f32 v14, v14;
	v4 =	vor.u32 v3, v4  }
0x11a: {  	s28 =	sand.u32 $0x70, s29;
	s3 =	sor.u32 s25, s31;
	v12 =	vmul.f32 v12, v10;
	v8 =	vld.idx.msk [tilespmem:v8+s15+$0x0], $0xffff;
	v13 =	vpop (erf);
	(erf) = vrcp.f32 v9  }
0x11b: {  	s3 =	sor.u32 s28, s3;
	v11 =	vld.idx.msk [tilespmem:v11+s15+$0x0], $0xffff;
	v6 =	vmul.f32 $2.000000030e-01, v9;
	v9 =	vmul.f32 v13, v13  }
0x11c: {  	v14 =	vmul.f32 v15, v14;
	v12 =	vadd.f32 $-2.800000000e+01, v12;
	v3 =	vld [tilespmem:s3+$0x1C900]  }
0x11d: {  	v16 =	vshll.u32 v2, $0x2;
	v5 =	vld [tilespmem:s3+$0x1D900];
	v17 =	vmul.f32 v9, v9  }
0x11e: {  	vm0 =	vlt.f32 v10, $1.000000000e+00;
	v13 =	vshll.u32 v7, $0x2;
	v12 =	vmul.f32 v12, v14;
	v4 =	vld.idx.msk [tilespmem:v4+s17+$0x0], $0xffff  }
0x11f: {  	s28 =	simm.s32 $0x60;
	v15 =	vand.u32 $0x1C, v16;
	v13 =	vand.u32 $0x1C, v13;
	v63 =	vmul.f32 v17, v17  }
0x120: {  	s29 =	simm.s32 $0x30;
	s30 =	sand.u32 $0xF00, s28;
	v10 =	vld [tilespmem:s3+$0x1B900];
	v8 =	vshrl.u32 v8, v15;
	v11 =	vshrl.u32 v11, v13;
	v12 =	vadd.f32 $1.000000000e+00, v12  }
0x121: {  	s29 =	sand.u32 $0x70, s29;
	s30 =	sor.u32 s25, s30;
	v8 =	vshll.u32 v8, $0x4;
	v14 =	vmul.f32 v63, v17;
	v9 =	vshrl.u32 v3, $0x3  }
0x122: {  	s29 =	sor.u32 s29, s30;
	v11 =	vand.u32 $0xF, v11;
	v13 =	vand.u32 $0xF0, v8;
	v7 =	vshrl.u32 v5, $0x3  }
0x123: {  	s30 =	simm.s32 $0x40;
	v8 =	vld [tilespmem:s29+$0x1D900];
	v11 =	vor.u32 v11, v13;
	v13 =	vmul.f32 $-2.100000000e+01, v6;
	v14 =	vmul.f32 v4, v14;
	v4 =	vmovc v6  }
.LBB2_10:
0x124: {  	v15 =	vmov v6  }
0x125: {  	p0 =	sne.s32 s30, $0x7F0;
	v6 =	vmul.f32 $2.000000030e-01, v10;
	v12 =	vnsel vm0, $0x0, v12;
	v16 =	vld [tilespmem:s29+$0x1C900];
	v17 =	vpop (erf)  }
0x126: {  	v15 =	vmul.f32 v15, v4;
	v12 =	vmul.f32 v12, v14;
	v18 =	vld.idx.msk [tilespmem:v9+s15+$0x0], $0xffff;
	v9 =	vadd.f32 $4.800000000e+01, v13  }
0x127: {  	v13 =	vld.idx.msk [tilespmem:v7+s15+$0x0], $0xffff;
	(erf) = vrcp.f32 v10;
	v10 =	vmul.f32 v17, v17  }
0x128: {  	v14 =	vshll.u32 v5, $0x2;
	v20 =	vmul.f32 v15, v15;
	v17 =	vmul.f32 v9, v4;
	[tilespmem:v1+s6+$0x0] =	vst.idx.add.f32.msk $0xffff, v12  }
0x129: {  	v7 =	vshrl.u32 v8, $0x3;
	v12 =	vshll.u32 v3, $0x2;
	v1 =	vmovc v2;
	v2 =	vmovc v3;
	v19 =	vld.idx.msk [tilespmem:v11+s17+$0x0], $0xffff;
	v11 =	vmul.f32 v10, v10  }
0x12a: {  	v5 =	vmovc v8;
	v15 =	vmul.f32 v20, v15;
	v9 =	vshrl.u32 v16, $0x3;
	v17 =	vadd.f32 $-2.800000000e+01, v17;
	v3 =	vmovc v16  }
.Ltmp8:
0x12b: {  	s28 =	sadd.s32 $0x20, s28;
	v8 =	vand.u32 $0x1C, v12;
	v12 =	vand.u32 $0x1C, v14;
	v10 =	vld [tilespmem:s29+$0x1B900];
	v14 =	vmul.f32 v11, v11;
	(pc) =	sbr.rel @p0 .LBB2_10-.Ltmp8, $4  }
0x12c: {  	vm0 =	vlt.f32 v4, $1.000000000e+00;
	s3 =	sand.u32 $0xF00, s28;
	v4 =	vmovc v6;
	v8 =	vshrl.u32 v18, v8;
	v15 =	vmul.f32 v17, v15  }
0x12d: {  	s3 =	sor.u32 s25, s3;
	s29 =	sand.u32 $0x70, s30;
	v12 =	vshrl.u32 v13, v12;
	v8 =	vshll.u32 v8, $0x4;
	v14 =	vmul.f32 v14, v11  }
0x12e: {  	s29 =	sor.u32 s29, s3;
	v11 =	vand.u32 $0xF, v12;
	v13 =	vand.u32 $0xF0, v8;
	v12 =	vadd.f32 $1.000000000e+00, v15  }
0x12f: {  	s30 =	sadd.s32 $0x10, s30;
	v11 =	vor.u32 v11, v13;
	v13 =	vmul.f32 $-2.100000000e+01, v4;
	v8 =	vld [tilespmem:s29+$0x1D900];
	v14 =	vmul.f32 v19, v14  }
0x130: {  	v15 =	vld [tilespmem:s29+$0x1C900];
	_ =	sdelay $0x3  }
0x131: {  	v12 =	vnsel vm0, $0x0, v12;
	v6 =	vmul.f32 v6, v4;
	v16 =	vmul.f32 $2.000000030e-01, v10  }
0x132: {  	v17 =	vpop (erf);
	v19 =	vld [tilespmem:s29+$0x1B900];
	(erf) = vrcp.f32 v10;
	v42 =	vshll.u32 v3, $0x2;
	v18 =	vshrl.u32 v15, $0x3  }
0x133: {  	v9 =	vld.idx.msk [tilespmem:v9+s15+$0x0], $0xffff;
	v12 =	vmul.f32 v12, v14;
	v38 =	vmul.f32 v17, v17;
	v41 =	vshrl.u32 v8, $0x3  }
0x134: {  	v7 =	vld.idx.msk [tilespmem:v7+s15+$0x0], $0xffff;
	v13 =	vadd.f32 $4.800000000e+01, v13;
	v39 =	vmul.f32 v6, v6;
	v46 =	vmul.f32 $-2.100000000e+01, v16  }
0x135: {  	v5 =	vshll.u32 v5, $0x2;
	v50 =	vmul.f32 v16, v16;
	v14 =	vmul.f32 v38, v38  }
0x136: {  	v11 =	vld.idx.msk [tilespmem:v11+s17+$0x0], $0xffff;
	v17 =	vand.u32 $0x1C, v42;
	v40 =	vmul.f32 v13, v4;
	v6 =	vmul.f32 v39, v6  }
0x137: {  	v5 =	vand.u32 $0x1C, v5;
	v43 =	vmul.f32 v14, v14;
	(erf) = vrcp.f32 v19;
	v45 =	vld.idx.msk [tilespmem:v18+s15+$0x0], $0xffff  }
0x138: {  	v51 =	vshll.u32 v8, $0x2;
	v55 =	vmul.f32 v50, v50;
	v9 =	vshrl.u32 v9, v17;
	v13 =	vld.idx.msk [tilespmem:v41+s15+$0x0], $0xffff  }
0x139: {  	v5 =	vshrl.u32 v7, v5;
	v48 =	vmul.f32 $2.000000030e-01, v19;
	v14 =	vmul.f32 v43, v14  }
0x13a: {  	v49 =	vshll.u32 v15, $0x2;
	v8 =	vand.u32 $0x1C, v51;
	v44 =	vshll.u32 v9, $0x4  }
0x13b: {  	v5 =	vand.u32 $0xF, v5;
	v47 =	vmul.f32 v11, v14;
	v14 =	vand.u32 $0x1C, v49  }
0x13c: {  	v7 =	vand.u32 $0xF0, v44;
	v54 =	vmul.f32 $-2.100000000e+01, v48;
	v9 =	vshrl.u32 v45, v14  }
0x13d: {  	v19 =	vmul.f32 v48, v48;
	v8 =	vshrl.u32 v13, v8;
	v9 =	vshll.u32 v9, $0x4  }
0x13e: {  	v5 =	vor.u32 v5, v7;
	v8 =	vand.u32 $0xF, v8;
	v9 =	vand.u32 $0xF0, v9  }
0x13f: {  	v17 =	vmul.f32 v55, v50;
	v7 =	vadd.f32 $4.800000000e+01, v46;
	v52 =	vpop (erf);
	v8 =	vor.u32 v8, v9  }
0x140: {  	v58 =	vmul.f32 v19, v19;
	v53 =	vmul.f32 v52, v52;
	v57 =	vpop (erf);
	v13 =	vadd.f32 $4.800000000e+01, v54  }
0x141: {  	v10 =	vadd.f32 $-2.800000000e+01, v40;
	v7 =	vmul.f32 v7, v16;
	v14 =	vmul.f32 v57, v57  }
0x142: {  	vm13 =	vlt.f32 v4, $1.000000000e+00;
	v56 =	vmul.f32 v53, v53;
	v13 =	vmul.f32 v13, v48  }
0x143: {  	v6 =	vmul.f32 v10, v6;
	v7 =	vadd.f32 $-2.800000000e+01, v7;
	v5 =	vld.idx.msk [tilespmem:v5+s17+$0x0], $0xffff;
	v14 =	vmul.f32 v14, v14  }
0x144: {  	v18 =	vmul.f32 v58, v19;
	v59 =	vmul.f32 v56, v56;
	v13 =	vadd.f32 $-2.800000000e+01, v13;
	v8 =	vld.idx.msk [tilespmem:v8+s17+$0x0], $0xffff  }
0x145: {  	vm14 =	vlt.f32 v16, $1.000000000e+00;
	v60 =	vmul.f32 v7, v17;
	v61 =	vmul.f32 v14, v14  }
0x146: {  	v6 =	vadd.f32 $1.000000000e+00, v6;
	v9 =	vmul.f32 v59, v56;
	v13 =	vmul.f32 v13, v18  }
0x147: {  	vm15 =	vlt.f32 v48, $1.000000000e+00;
	v4 =	vadd.f32 $1.000000000e+00, v60;
	v7 =	vmul.f32 v61, v14  }
0x148: {  	v6 =	vnsel vm13, $0x0, v6;
	v5 =	vmul.f32 v5, v9;
	v62 =	vadd.f32 $1.000000000e+00, v13  }
.Ltmp9:
0x149: {  	v6 =	vmul.f32 v6, v47;
	v4 =	vnsel vm14, $0x0, v4;
	v7 =	vmul.f32 v8, v7;
	(pc) =	sbr.rel .LBB2_12-.Ltmp9, $4  }
0x14a: {  	[tilespmem:v1+s6+$0x0] =	vst.idx.add.f32.msk $0xffff, v12;
	v1 =	vmul.f32 v4, v5;
	v63 =	vnsel vm15, $0x0, v62  }
0x14b: {  	[tilespmem:v2+s6+$0x0] =	vst.idx.add.f32.msk $0xffff, v6;
	v2 =	vmul.f32 v63, v7  }
0x14c: {  	[tilespmem:v3+s6+$0x0] =	vst.idx.add.f32.msk $0xffff, v1  }
0x14d: {  	[tilespmem:v15+s6+$0x0] =	vst.idx.add.f32.msk $0xffff, v2  }
.LBB2_14:
0x14e: {  	_ =	sfence.sel $0x180000  }
0x14f: {  	[bflag:$0x0] =	sbarrier.arrive $0xFFFF  }
0x150: {  	_ =	strace $0x90000047  }
0x151: {  	s0 =	stileid.u32;
	[bflag:$0x2] =	sbarrier.arrive $0xFFFF  }
0x152: {  	p0 =	sne.s32 s0, $0x0;
	s0 =	rddreg [dreg:$0x4]  }
0x153: {  	s0 =	sadd.s32 @!p0 $0x100000, s0  }
0x154: {  	[sflag:s0] =	ssyncadd.tile.s32 @!p0 $0x1;
	_ =	shalt  }
.Lfunc_end2:
_tile_overlayer_lowered:
.L_overlay_start_2:
0x155: {  	(tag) =	ssettag $0x2  }
0x156: {  	s0 =	rddreg [dreg:$0x0];
	s2 =	stileid.u32  }
0x157: {  	s1 =	rddreg [dreg:$0x1];
	p0 =	sne.s32 s2, $0x0  }
0x158: {  	s3 =	rddreg [dreg:$0x2];
	[bflag:$0x3] =	sbarrier.arrive $0xFFFF;
	s2 =	simm.s32 @!p0 $0x1C02  }
0x159: {  	[timem:s3], [sflag:s2] =	dma.local @!p0 [hbm:s0], s1  }
0x15a: {  	s0 =	simm.s32 @!p0 $0x2  }
0x15b: {  	_ =	swait.ge @!p0 [sflag:s0], s1  }
0x15c: {  	s1 =	ssub.s32 @!p0 $0x0, s1;
	[sflag:s0] =	ssyncset.done @!p0 $0x0  }
0x15d: {  	[sflag:s0] =	ssyncadd.s32 @!p0 s1  }
0x15e: {  	[bflag:$0x3] =	sbarrier.arrive $0xFFFF  }
0x15f: {  	_ =	shalt  }

</sc_bundles>
